<compile_context>
chip_gen: v7x
topology: tpu7x:2x2x1
jax: 0.10.2.dev20260603
libtpu: 0.0.44.dev20260713+nightly
codegen_flags: <defaults>
</compile_context>

<pallas_src>
import functools

import jax
import jax.numpy as jnp
from jax import lax
from jax.experimental import pallas as pl
from jax.experimental.pallas import tpu as pltpu
from jax.experimental.pallas import tpu_sc as plsc

VOCAB = 23236
VOCABP = 23240
EMBED_DIM = 1728
SEG = 14
PADDED = SEG * 128
BATCH = 1024
SEQ = 50
SEQP = 56
TAB_ROWS = VOCAB * SEG
OUT_ROWS = BATCH * SEQ * SEG

NC = 2
NS = 16
NW = NC * NS
NSPLIT = 2
QROWS = OUT_ROWS // NSPLIT
RPW = QROWS // NW
CH = 224
NCHUNK = RPW // CH
SUB = 2
NIDX = CH // SUB

_MESH = plsc.VectorSubcoreMesh(core_axis_name="c", subcore_axis_name="s")


@functools.partial(
    pl.kernel,
    out_type=jax.ShapeDtypeStruct((QROWS, 128), jnp.float32),
    mesh=_MESH,
    compiler_params=pltpu.CompilerParams(use_tc_tiling_on_sc=False),
    scratch_types=[
        pltpu.VMEM((RPW,), jnp.int32),
        pltpu.VMEM((2, CH, 128), jnp.float32),
        pltpu.SemaphoreType.DMA,
        pltpu.SemaphoreType.DMA,
        pltpu.SemaphoreType.DMA,
    ],
)
def _glyph_gather(idx_hbm, tab_hbm, out_hbm, idx_v, rows_v, gsem, osem0, osem1):
    wid = lax.axis_index("s") * NC + lax.axis_index("c")
    base = wid * RPW
    osems = (osem0, osem1)

    pltpu.sync_copy(idx_hbm.at[pl.ds(wid * RPW, RPW)], idx_v)

    def start_gathers(j, b):
        for q in range(SUB):
            pltpu.async_copy(
                tab_hbm.at[idx_v.at[pl.ds(j * CH + q * NIDX, NIDX)]],
                rows_v.at[b, pl.ds(q * NIDX, NIDX)],
                gsem,
            )

    def wait_gathers(b):
        pltpu.make_async_copy(
            tab_hbm.at[pl.ds(0, CH)], rows_v.at[b], gsem
        ).wait()

    start_gathers(0, 0)

    def pair(p, carry):
        for b in range(2):
            j = 2 * p + b
            wait_gathers(b)

            @pl.when(j >= 1)
            def _():
                pltpu.make_async_copy(
                    rows_v.at[1 - b], out_hbm.at[pl.ds(base, CH)], osems[1 - b]
                ).wait()

            @pl.when(j + 1 < NCHUNK)
            def _():
                start_gathers(j + 1, 1 - b)

            pltpu.async_copy(
                rows_v.at[b], out_hbm.at[pl.ds(base + j * CH, CH)], osems[b]
            )
        return carry

    lax.fori_loop(0, NCHUNK // 2, pair, 0)
    pltpu.make_async_copy(
        rows_v.at[1], out_hbm.at[pl.ds(base, CH)], osem1
    ).wait()


_PAD_RB = 512


def _pad_body(t_ref, o_ref):
    x = t_ref[...]
    y = jnp.pad(x, ((0, 0), (0, PADDED - EMBED_DIM)))
    o_ref[...] = y.reshape(_PAD_RB * SEG, 128)


def _tc_pad(table):
    grid = (VOCAB + _PAD_RB - 1) // _PAD_RB
    return pl.pallas_call(
        _pad_body,
        grid=(grid,),
        in_specs=[pl.BlockSpec((_PAD_RB, EMBED_DIM), lambda i: (i, 0))],
        out_specs=pl.BlockSpec((_PAD_RB * SEG, 128), lambda i: (i, 0)),
        out_shape=jax.ShapeDtypeStruct((TAB_ROWS, 128), jnp.float32),
    )(table)


_DET_BB = 8
_QBATCH = BATCH // NSPLIT


def _det_body(x_ref, o_ref):
    x = x_ref[...]
    y = x.reshape(_DET_BB * SEQ, PADDED)[:, :EMBED_DIM]
    o_ref[...] = y.reshape(_DET_BB, SEQ, EMBED_DIM)


def _det_body_acc(x_ref, prev_ref, o_ref):
    del prev_ref
    _det_body(x_ref, o_ref)


def _tc_detile_q(x, quarter, prev):
    b0 = quarter * _QBATCH // _DET_BB
    out_spec = pl.BlockSpec(
        (_DET_BB, SEQ, EMBED_DIM), lambda b: (b + b0, 0, 0)
    )
    out_shape = jax.ShapeDtypeStruct((BATCH, SEQ, EMBED_DIM), jnp.float32)
    grid = (_QBATCH // _DET_BB,)
    in_spec = pl.BlockSpec((_DET_BB * SEQ * SEG, 128), lambda b: (b, 0))
    if prev is None:
        return pl.pallas_call(
            _det_body,
            grid=grid,
            in_specs=[in_spec],
            out_specs=out_spec,
            out_shape=out_shape,
        )(x)
    return pl.pallas_call(
        _det_body_acc,
        grid=grid,
        in_specs=[in_spec, pl.BlockSpec(memory_space=pl.ANY)],
        out_specs=out_spec,
        out_shape=out_shape,
        input_output_aliases={1: 0},
    )(x, prev)


def kernel(input_ids, embedding_table):
    ids = input_ids.reshape(-1).astype(jnp.int32)
    segs = (ids[:, None] * SEG + jnp.arange(SEG, dtype=jnp.int32)).reshape(-1)
    table_seg = _tc_pad(embedding_table)
    result = None
    for q in range(NSPLIT):
        xq = _glyph_gather(segs[q * QROWS:(q + 1) * QROWS], table_seg)
        result = _tc_detile_q(xq, q, result)
    return result

# --- scband reference (transcript-rebuilt; emitter-appended) ---
"""Pipeline reference for scband-glyph-embedding-5068061409866 (READ-ONLY COPY).

The authoritative reference and input builder live on the scoring server;
editing this copy changes nothing except your own understanding.
"""

import jax, jax.numpy as jnp
import numpy as np

VOCAB = 23236
FONT_NUM = 3
FONT_SIZE = 24
EMBED_DIM = FONT_NUM * FONT_SIZE * FONT_SIZE  # 1728
BATCH = 1024
SEQ = 50


def setup_inputs(seed: int = 0) -> dict:
    key = jax.random.key(seed)
    k_ids, k_tab = jax.random.split(key)
    input_ids = jax.random.randint(k_ids, (BATCH, SEQ), 0, VOCAB, dtype=jnp.int64)
    # Learned parameter: glyph embedding table initialized from stacked font arrays
    # (here materialized as random floats with the same shape [vocab, font_num*font_size^2]).
    embedding_table = jax.random.normal(k_tab, (VOCAB, EMBED_DIM), dtype=jnp.float32)
    return {"input_ids": input_ids, "embedding_table": embedding_table}


def reference(input_ids, embedding_table):
    # nn.Embedding lookup: gather rows of the glyph table
    # -> images: [batch, sentence_length, font_num*font_size*font_size]
    return jnp.take(embedding_table, input_ids, axis=0)

if __name__ == "__main__":
    import jax
    _d = setup_inputs()
    print(jax.jit(kernel)(*tuple(_d.values())))

</pallas_src>

<mosaic_0001>
#map = affine_map<(d0, d1) -> (0)>
#map1 = affine_map<(d0, d1) -> (0, 0)>
module attributes {stable_mosaic.version = 14 : i64} {
  func.func @_glyph_gather(%arg0: i32, %arg1: i32, %arg2: memref<358400xi32, #tpu.memory_space<hbm>>, %arg3: memref<325304x128xf32, #tpu.memory_space<hbm>>, %arg4: memref<358400x128xf32, #tpu.memory_space<hbm>>, %arg5: memref<11200xi32, #tpu.memory_space<vmem>>, %arg6: memref<2x224x128xf32, #tpu.memory_space<vmem>>, %arg7: memref<!tpu.dma_semaphore, #tpu.memory_space<semaphore_mem>>, %arg8: memref<!tpu.dma_semaphore, #tpu.memory_space<semaphore_mem>>, %arg9: memref<!tpu.dma_semaphore, #tpu.memory_space<semaphore_mem>>) attributes {dimension_semantics = [#tpu.dimension_semantics<core_parallel>, #tpu.dimension_semantics<subcore_parallel>], iteration_bounds = array<i64: 2, 16>, scalar_prefetch = 0 : i64, scratch_operands = 5 : i64, tpu.core_type = #tpu.core_type<sc_vector_subcore>, window_params = [{transform_indices = #map}, {transform_indices = #map1}, {transform_indices = #map1}]} {
    %mul3A = arith.constant 2 : i32
    %mul3A_0 = arith.muli %arg1, %mul3A : i32
    %add3A = arith.addi %mul3A_0, %arg0 : i32
    %mul3A_1 = arith.constant 11200 : i32
    %mul3A_2 = arith.muli %add3A, %mul3A_1 : i32
    %mul3A_3 = arith.constant 11200 : i32
    %mul3A_4 = arith.muli %add3A, %mul3A_3 : i32
    "tpu.region"() ({
      %run_scoped3A = tpu.sem_alloc : memref<!tpu.dma_semaphore, #tpu.memory_space<semaphore_mem>>
      %dma_start3A_41 = tpu.memref_slice %arg2[%mul3A_4] : memref<358400xi32, #tpu.memory_space<hbm>> -> memref<11200xi32, #tpu.memory_space<hbm>>
      %dma_start3A_42 = tpu.memref_slice %arg2[%mul3A_4] : memref<358400xi32, #tpu.memory_space<hbm>> -> memref<11200xi32, #tpu.memory_space<hbm>>
      tpu.enqueue_dma source(%dma_start3A_42 : memref<11200xi32, #tpu.memory_space<hbm>>) target(%arg5 : memref<11200xi32, #tpu.memory_space<vmem>>) target_semaphore(%run_scoped3A : memref<!tpu.dma_semaphore, #tpu.memory_space<semaphore_mem>>)
      %dma_wait3A_43 = tpu.memref_slice %arg2[%mul3A_4] : memref<358400xi32, #tpu.memory_space<hbm>> -> memref<11200xi32, #tpu.memory_space<hbm>>
      %dma_wait3A_44 = tpu.memref_slice %arg2[%mul3A_4] : memref<358400xi32, #tpu.memory_space<hbm>> -> memref<11200xi32, #tpu.memory_space<hbm>>
      tpu.wait_dma2 semaphore(%run_scoped3A : memref<!tpu.dma_semaphore, #tpu.memory_space<semaphore_mem>>) src(%dma_wait3A_44 : memref<11200xi32, #tpu.memory_space<hbm>>) dst(%arg5 : memref<11200xi32, #tpu.memory_space<vmem>>)
      tpu.yield
    }) : () -> ()
    %dma_start3A = arith.constant 0 : i32
    %dma_start3A_5 = arith.constant 0 : i32
    %dma_start3A_6 = arith.constant 0 : i32
    %dma_start3A_7 = tpu.memref_slice %arg6[%dma_start3A, %dma_start3A_5, %dma_start3A_6] : memref<2x224x128xf32, #tpu.memory_space<vmem>> -> memref<1x112x128xf32, #tpu.memory_space<vmem>>
    %dma_start3A_8 = tpu.memref_squeeze %dma_start3A_7 : memref<1x112x128xf32, #tpu.memory_space<vmem>> -> memref<112x128xf32, #tpu.memory_space<vmem>>
    %dma_start3A_9 = arith.constant 0 : i32
    %dma_start3A_10 = tpu.memref_slice %arg5[%dma_start3A_9] : memref<11200xi32, #tpu.memory_space<vmem>> -> memref<112xi32, #tpu.memory_space<vmem>>
    %dma_start3A_11 = arith.constant 0 : i32
    %dma_start3A_12 = arith.constant 0 : i32
    %dma_start3A_13 = tpu.memref_slice %arg3[%dma_start3A_11, %dma_start3A_12] : memref<325304x128xf32, #tpu.memory_space<hbm>> -> memref<325304x128xf32, #tpu.memory_space<hbm>>
    tpu.enqueue_indirect_dma source(%dma_start3A_13 : memref<325304x128xf32, #tpu.memory_space<hbm>>) target(%dma_start3A_8 : memref<112x128xf32, #tpu.memory_space<vmem>>) offsets(%dma_start3A_10 : memref<112xi32, #tpu.memory_space<vmem>>) semaphore(%arg7 : memref<!tpu.dma_semaphore, #tpu.memory_space<semaphore_mem>>)
    %dma_start3A_14 = arith.constant 0 : i32
    %dma_start3A_15 = arith.constant 112 : i32
    %dma_start3A_16 = arith.constant 0 : i32
    %dma_start3A_17 = tpu.memref_slice %arg6[%dma_start3A_14, %dma_start3A_15, %dma_start3A_16] : memref<2x224x128xf32, #tpu.memory_space<vmem>> -> memref<1x112x128xf32, #tpu.memory_space<vmem>>
    %dma_start3A_18 = tpu.memref_squeeze %dma_start3A_17 : memref<1x112x128xf32, #tpu.memory_space<vmem>> -> memref<112x128xf32, #tpu.memory_space<vmem>>
    %dma_start3A_19 = arith.constant 112 : i32
    %dma_start3A_20 = tpu.memref_slice %arg5[%dma_start3A_19] : memref<11200xi32, #tpu.memory_space<vmem>> -> memref<112xi32, #tpu.memory_space<vmem>>
    %dma_start3A_21 = arith.constant 0 : i32
    %dma_start3A_22 = arith.constant 0 : i32
    %dma_start3A_23 = tpu.memref_slice %arg3[%dma_start3A_21, %dma_start3A_22] : memref<325304x128xf32, #tpu.memory_space<hbm>> -> memref<325304x128xf32, #tpu.memory_space<hbm>>
    tpu.enqueue_indirect_dma source(%dma_start3A_23 : memref<325304x128xf32, #tpu.memory_space<hbm>>) target(%dma_start3A_18 : memref<112x128xf32, #tpu.memory_space<vmem>>) offsets(%dma_start3A_20 : memref<112xi32, #tpu.memory_space<vmem>>) semaphore(%arg7 : memref<!tpu.dma_semaphore, #tpu.memory_space<semaphore_mem>>)
    %scan3A = arith.constant 0 : i32
    %scan3A_24 = arith.constant 0 : i32
    %scan3A_25 = arith.constant 25 : i32
    %scan3A_26 = arith.addi %scan3A_24, %scan3A_25 : i32
    %scan3A_27 = arith.constant 1 : i32
    scf.for %scan3A_41 = %scan3A_24 to %scan3A_26 step %scan3A_27  : i32 {
      %mul3A_42 = arith.constant 2 : i32
      %mul3A_43 = arith.muli %mul3A_42, %scan3A_41 : i32
      %add3A_44 = arith.constant 0 : i32
      %add3A_45 = arith.addi %mul3A_43, %add3A_44 : i32
      %dma_wait3A_46 = arith.constant 0 : i32
      %dma_wait3A_47 = arith.constant 0 : i32
      %dma_wait3A_48 = arith.constant 0 : i32
      %dma_wait3A_49 = tpu.memref_slice %arg6[%dma_wait3A_46, %dma_wait3A_47, %dma_wait3A_48] : memref<2x224x128xf32, #tpu.memory_space<vmem>> -> memref<1x224x128xf32, #tpu.memory_space<vmem>>
      %dma_wait3A_50 = tpu.memref_squeeze %dma_wait3A_49 : memref<1x224x128xf32, #tpu.memory_space<vmem>> -> memref<224x128xf32, #tpu.memory_space<vmem>>
      %dma_wait3A_51 = arith.constant 0 : i32
      %dma_wait3A_52 = arith.constant 0 : i32
      %dma_wait3A_53 = tpu.memref_slice %arg3[%dma_wait3A_51, %dma_wait3A_52] : memref<325304x128xf32, #tpu.memory_space<hbm>> -> memref<224x128xf32, #tpu.memory_space<hbm>>
      %dma_wait3A_54 = arith.constant 0 : i32
      %dma_wait3A_55 = arith.constant 0 : i32
      %dma_wait3A_56 = tpu.memref_slice %arg6[%dma_wait3A_46, %dma_wait3A_54, %dma_wait3A_55] : memref<2x224x128xf32, #tpu.memory_space<vmem>> -> memref<1x224x128xf32, #tpu.memory_space<vmem>>
      %dma_wait3A_57 = tpu.memref_squeeze %dma_wait3A_56 : memref<1x224x128xf32, #tpu.memory_space<vmem>> -> memref<224x128xf32, #tpu.memory_space<vmem>>
      %dma_wait3A_58 = arith.constant 0 : i32
      %dma_wait3A_59 = arith.constant 0 : i32
      %dma_wait3A_60 = tpu.memref_slice %arg3[%dma_wait3A_58, %dma_wait3A_59] : memref<325304x128xf32, #tpu.memory_space<hbm>> -> memref<224x128xf32, #tpu.memory_space<hbm>>
      tpu.wait_dma2 semaphore(%arg7 : memref<!tpu.dma_semaphore, #tpu.memory_space<semaphore_mem>>) src(%dma_wait3A_60 : memref<224x128xf32, #tpu.memory_space<hbm>>) dst(%dma_wait3A_57 : memref<224x128xf32, #tpu.memory_space<vmem>>)
      %ge3A = arith.constant 1 : i32
      %ge3A_61 = arith.cmpi sge, %add3A_45, %ge3A : i32
      %convert_element_type3A = arith.extui %ge3A_61 : i1 to i32
      %cond3A = arith.constant 0 : i32
      %cond3A_62 = arith.cmpi ne, %convert_element_type3A, %cond3A : i32
      scf.if %cond3A_62 {
        %dma_wait3A_132 = arith.constant 1 : i32
        %dma_wait3A_133 = arith.constant 0 : i32
        %dma_wait3A_134 = arith.constant 0 : i32
        %dma_wait3A_135 = tpu.memref_slice %arg6[%dma_wait3A_132, %dma_wait3A_133, %dma_wait3A_134] : memref<2x224x128xf32, #tpu.memory_space<vmem>> -> memref<1x224x128xf32, #tpu.memory_space<vmem>>
        %dma_wait3A_136 = tpu.memref_squeeze %dma_wait3A_135 : memref<1x224x128xf32, #tpu.memory_space<vmem>> -> memref<224x128xf32, #tpu.memory_space<vmem>>
        %dma_wait3A_137 = arith.constant 0 : i32
        %dma_wait3A_138 = tpu.memref_slice %arg4[%mul3A_2, %dma_wait3A_137] : memref<358400x128xf32, #tpu.memory_space<hbm>> -> memref<224x128xf32, #tpu.memory_space<hbm>>
        %dma_wait3A_139 = arith.constant 0 : i32
        %dma_wait3A_140 = tpu.memref_slice %arg4[%mul3A_2, %dma_wait3A_139] : memref<358400x128xf32, #tpu.memory_space<hbm>> -> memref<224x128xf32, #tpu.memory_space<hbm>>
        %dma_wait3A_141 = arith.constant 0 : i32
        %dma_wait3A_142 = arith.constant 0 : i32
        %dma_wait3A_143 = tpu.memref_slice %arg6[%dma_wait3A_132, %dma_wait3A_141, %dma_wait3A_142] : memref<2x224x128xf32, #tpu.memory_space<vmem>> -> memref<1x224x128xf32, #tpu.memory_space<vmem>>
        %dma_wait3A_144 = tpu.memref_squeeze %dma_wait3A_143 : memref<1x224x128xf32, #tpu.memory_space<vmem>> -> memref<224x128xf32, #tpu.memory_space<vmem>>
        tpu.wait_dma2 semaphore(%arg9 : memref<!tpu.dma_semaphore, #tpu.memory_space<semaphore_mem>>) src(%dma_wait3A_144 : memref<224x128xf32, #tpu.memory_space<vmem>>) dst(%dma_wait3A_140 : memref<224x128xf32, #tpu.memory_space<hbm>>)
      } else {
      }
      %add3A_63 = arith.constant 1 : i32
      %add3A_64 = arith.addi %add3A_45, %add3A_63 : i32
      %lt3A = arith.constant 50 : i32
      %lt3A_65 = arith.cmpi slt, %add3A_64, %lt3A : i32
      %convert_element_type3A_66 = arith.extui %lt3A_65 : i1 to i32
      %cond3A_67 = arith.constant 0 : i32
      %cond3A_68 = arith.cmpi ne, %convert_element_type3A_66, %cond3A_67 : i32
      scf.if %cond3A_68 {
        %add3A_132 = arith.constant 1 : i32
        %add3A_133 = arith.addi %add3A_45, %add3A_132 : i32
        %mul3A_134 = arith.constant 224 : i32
        %mul3A_135 = arith.muli %add3A_133, %mul3A_134 : i32
        %add3A_136 = arith.constant 0 : i32
        %add3A_137 = arith.addi %mul3A_135, %add3A_136 : i32
        %dma_start3A_138 = arith.constant 1 : i32
        %dma_start3A_139 = arith.constant 0 : i32
        %dma_start3A_140 = arith.constant 0 : i32
        %dma_start3A_141 = tpu.memref_slice %arg6[%dma_start3A_138, %dma_start3A_139, %dma_start3A_140] : memref<2x224x128xf32, #tpu.memory_space<vmem>> -> memref<1x112x128xf32, #tpu.memory_space<vmem>>
        %dma_start3A_142 = tpu.memref_squeeze %dma_start3A_141 : memref<1x112x128xf32, #tpu.memory_space<vmem>> -> memref<112x128xf32, #tpu.memory_space<vmem>>
        %dma_start3A_143 = tpu.memref_slice %arg5[%add3A_137] : memref<11200xi32, #tpu.memory_space<vmem>> -> memref<112xi32, #tpu.memory_space<vmem>>
        %dma_start3A_144 = arith.constant 0 : i32
        %dma_start3A_145 = arith.constant 0 : i32
        %dma_start3A_146 = tpu.memref_slice %arg3[%dma_start3A_144, %dma_start3A_145] : memref<325304x128xf32, #tpu.memory_space<hbm>> -> memref<325304x128xf32, #tpu.memory_space<hbm>>
        tpu.enqueue_indirect_dma source(%dma_start3A_146 : memref<325304x128xf32, #tpu.memory_space<hbm>>) target(%dma_start3A_142 : memref<112x128xf32, #tpu.memory_space<vmem>>) offsets(%dma_start3A_143 : memref<112xi32, #tpu.memory_space<vmem>>) semaphore(%arg7 : memref<!tpu.dma_semaphore, #tpu.memory_space<semaphore_mem>>)
        %mul3A_147 = arith.constant 224 : i32
        %mul3A_148 = arith.muli %add3A_133, %mul3A_147 : i32
        %add3A_149 = arith.constant 112 : i32
        %add3A_150 = arith.addi %mul3A_148, %add3A_149 : i32
        %dma_start3A_151 = arith.constant 1 : i32
        %dma_start3A_152 = arith.constant 112 : i32
        %dma_start3A_153 = arith.constant 0 : i32
        %dma_start3A_154 = tpu.memref_slice %arg6[%dma_start3A_151, %dma_start3A_152, %dma_start3A_153] : memref<2x224x128xf32, #tpu.memory_space<vmem>> -> memref<1x112x128xf32, #tpu.memory_space<vmem>>
        %dma_start3A_155 = tpu.memref_squeeze %dma_start3A_154 : memref<1x112x128xf32, #tpu.memory_space<vmem>> -> memref<112x128xf32, #tpu.memory_space<vmem>>
        %dma_start3A_156 = tpu.memref_slice %arg5[%add3A_150] : memref<11200xi32, #tpu.memory_space<vmem>> -> memref<112xi32, #tpu.memory_space<vmem>>
        %dma_start3A_157 = arith.constant 0 : i32
        %dma_start3A_158 = arith.constant 0 : i32
        %dma_start3A_159 = tpu.memref_slice %arg3[%dma_start3A_157, %dma_start3A_158] : memref<325304x128xf32, #tpu.memory_space<hbm>> -> memref<325304x128xf32, #tpu.memory_space<hbm>>
        tpu.enqueue_indirect_dma source(%dma_start3A_159 : memref<325304x128xf32, #tpu.memory_space<hbm>>) target(%dma_start3A_155 : memref<112x128xf32, #tpu.memory_space<vmem>>) offsets(%dma_start3A_156 : memref<112xi32, #tpu.memory_space<vmem>>) semaphore(%arg7 : memref<!tpu.dma_semaphore, #tpu.memory_space<semaphore_mem>>)
      } else {
      }
      %mul3A_69 = arith.constant 224 : i32
      %mul3A_70 = arith.muli %add3A_45, %mul3A_69 : i32
      %add3A_71 = arith.addi %mul3A_2, %mul3A_70 : i32
      %dma_start3A_72 = arith.constant 0 : i32
      %dma_start3A_73 = arith.constant 0 : i32
      %dma_start3A_74 = arith.constant 0 : i32
      %dma_start3A_75 = tpu.memref_slice %arg6[%dma_start3A_72, %dma_start3A_73, %dma_start3A_74] : memref<2x224x128xf32, #tpu.memory_space<vmem>> -> memref<1x224x128xf32, #tpu.memory_space<vmem>>
      %dma_start3A_76 = tpu.memref_squeeze %dma_start3A_75 : memref<1x224x128xf32, #tpu.memory_space<vmem>> -> memref<224x128xf32, #tpu.memory_space<vmem>>
      %dma_start3A_77 = arith.constant 0 : i32
      %dma_start3A_78 = tpu.memref_slice %arg4[%add3A_71, %dma_start3A_77] : memref<358400x128xf32, #tpu.memory_space<hbm>> -> memref<224x128xf32, #tpu.memory_space<hbm>>
      %dma_start3A_79 = arith.constant 0 : i32
      %dma_start3A_80 = tpu.memref_slice %arg4[%add3A_71, %dma_start3A_79] : memref<358400x128xf32, #tpu.memory_space<hbm>> -> memref<224x128xf32, #tpu.memory_space<hbm>>
      %dma_start3A_81 = arith.constant 0 : i32
      %dma_start3A_82 = arith.constant 0 : i32
      %dma_start3A_83 = tpu.memref_slice %arg6[%dma_start3A_72, %dma_start3A_81, %dma_start3A_82] : memref<2x224x128xf32, #tpu.memory_space<vmem>> -> memref<1x224x128xf32, #tpu.memory_space<vmem>>
      %dma_start3A_84 = tpu.memref_squeeze %dma_start3A_83 : memref<1x224x128xf32, #tpu.memory_space<vmem>> -> memref<224x128xf32, #tpu.memory_space<vmem>>
      tpu.enqueue_dma source(%dma_start3A_84 : memref<224x128xf32, #tpu.memory_space<vmem>>) target(%dma_start3A_80 : memref<224x128xf32, #tpu.memory_space<hbm>>) target_semaphore(%arg8 : memref<!tpu.dma_semaphore, #tpu.memory_space<semaphore_mem>>)
      %mul3A_85 = arith.constant 2 : i32
      %mul3A_86 = arith.muli %mul3A_85, %scan3A_41 : i32
      %add3A_87 = arith.constant 1 : i32
      %add3A_88 = arith.addi %mul3A_86, %add3A_87 : i32
      %dma_wait3A_89 = arith.constant 1 : i32
      %dma_wait3A_90 = arith.constant 0 : i32
      %dma_wait3A_91 = arith.constant 0 : i32
      %dma_wait3A_92 = tpu.memref_slice %arg6[%dma_wait3A_89, %dma_wait3A_90, %dma_wait3A_91] : memref<2x224x128xf32, #tpu.memory_space<vmem>> -> memref<1x224x128xf32, #tpu.memory_space<vmem>>
      %dma_wait3A_93 = tpu.memref_squeeze %dma_wait3A_92 : memref<1x224x128xf32, #tpu.memory_space<vmem>> -> memref<224x128xf32, #tpu.memory_space<vmem>>
      %dma_wait3A_94 = arith.constant 0 : i32
      %dma_wait3A_95 = arith.constant 0 : i32
      %dma_wait3A_96 = tpu.memref_slice %arg3[%dma_wait3A_94, %dma_wait3A_95] : memref<325304x128xf32, #tpu.memory_space<hbm>> -> memref<224x128xf32, #tpu.memory_space<hbm>>
      %dma_wait3A_97 = arith.constant 0 : i32
      %dma_wait3A_98 = arith.constant 0 : i32
      %dma_wait3A_99 = tpu.memref_slice %arg6[%dma_wait3A_89, %dma_wait3A_97, %dma_wait3A_98] : memref<2x224x128xf32, #tpu.memory_space<vmem>> -> memref<1x224x128xf32, #tpu.memory_space<vmem>>
      %dma_wait3A_100 = tpu.memref_squeeze %dma_wait3A_99 : memref<1x224x128xf32, #tpu.memory_space<vmem>> -> memref<224x128xf32, #tpu.memory_space<vmem>>
      %dma_wait3A_101 = arith.constant 0 : i32
      %dma_wait3A_102 = arith.constant 0 : i32
      %dma_wait3A_103 = tpu.memref_slice %arg3[%dma_wait3A_101, %dma_wait3A_102] : memref<325304x128xf32, #tpu.memory_space<hbm>> -> memref<224x128xf32, #tpu.memory_space<hbm>>
      tpu.wait_dma2 semaphore(%arg7 : memref<!tpu.dma_semaphore, #tpu.memory_space<semaphore_mem>>) src(%dma_wait3A_103 : memref<224x128xf32, #tpu.memory_space<hbm>>) dst(%dma_wait3A_100 : memref<224x128xf32, #tpu.memory_space<vmem>>)
      %ge3A_104 = arith.constant 1 : i32
      %ge3A_105 = arith.cmpi sge, %add3A_88, %ge3A_104 : i32
      %convert_element_type3A_106 = arith.extui %ge3A_105 : i1 to i32
      %cond3A_107 = arith.constant 0 : i32
      %cond3A_108 = arith.cmpi ne, %convert_element_type3A_106, %cond3A_107 : i32
      scf.if %cond3A_108 {
        %dma_wait3A_132 = arith.constant 0 : i32
        %dma_wait3A_133 = arith.constant 0 : i32
        %dma_wait3A_134 = arith.constant 0 : i32
        %dma_wait3A_135 = tpu.memref_slice %arg6[%dma_wait3A_132, %dma_wait3A_133, %dma_wait3A_134] : memref<2x224x128xf32, #tpu.memory_space<vmem>> -> memref<1x224x128xf32, #tpu.memory_space<vmem>>
        %dma_wait3A_136 = tpu.memref_squeeze %dma_wait3A_135 : memref<1x224x128xf32, #tpu.memory_space<vmem>> -> memref<224x128xf32, #tpu.memory_space<vmem>>
        %dma_wait3A_137 = arith.constant 0 : i32
        %dma_wait3A_138 = tpu.memref_slice %arg4[%mul3A_2, %dma_wait3A_137] : memref<358400x128xf32, #tpu.memory_space<hbm>> -> memref<224x128xf32, #tpu.memory_space<hbm>>
        %dma_wait3A_139 = arith.constant 0 : i32
        %dma_wait3A_140 = tpu.memref_slice %arg4[%mul3A_2, %dma_wait3A_139] : memref<358400x128xf32, #tpu.memory_space<hbm>> -> memref<224x128xf32, #tpu.memory_space<hbm>>
        %dma_wait3A_141 = arith.constant 0 : i32
        %dma_wait3A_142 = arith.constant 0 : i32
        %dma_wait3A_143 = tpu.memref_slice %arg6[%dma_wait3A_132, %dma_wait3A_141, %dma_wait3A_142] : memref<2x224x128xf32, #tpu.memory_space<vmem>> -> memref<1x224x128xf32, #tpu.memory_space<vmem>>
        %dma_wait3A_144 = tpu.memref_squeeze %dma_wait3A_143 : memref<1x224x128xf32, #tpu.memory_space<vmem>> -> memref<224x128xf32, #tpu.memory_space<vmem>>
        tpu.wait_dma2 semaphore(%arg8 : memref<!tpu.dma_semaphore, #tpu.memory_space<semaphore_mem>>) src(%dma_wait3A_144 : memref<224x128xf32, #tpu.memory_space<vmem>>) dst(%dma_wait3A_140 : memref<224x128xf32, #tpu.memory_space<hbm>>)
      } else {
      }
      %add3A_109 = arith.constant 1 : i32
      %add3A_110 = arith.addi %add3A_88, %add3A_109 : i32
      %lt3A_111 = arith.constant 50 : i32
      %lt3A_112 = arith.cmpi slt, %add3A_110, %lt3A_111 : i32
      %convert_element_type3A_113 = arith.extui %lt3A_112 : i1 to i32
      %cond3A_114 = arith.constant 0 : i32
      %cond3A_115 = arith.cmpi ne, %convert_element_type3A_113, %cond3A_114 : i32
      scf.if %cond3A_115 {
        %add3A_132 = arith.constant 1 : i32
        %add3A_133 = arith.addi %add3A_88, %add3A_132 : i32
        %mul3A_134 = arith.constant 224 : i32
        %mul3A_135 = arith.muli %add3A_133, %mul3A_134 : i32
        %add3A_136 = arith.constant 0 : i32
        %add3A_137 = arith.addi %mul3A_135, %add3A_136 : i32
        %dma_start3A_138 = arith.constant 0 : i32
        %dma_start3A_139 = arith.constant 0 : i32
        %dma_start3A_140 = arith.constant 0 : i32
        %dma_start3A_141 = tpu.memref_slice %arg6[%dma_start3A_138, %dma_start3A_139, %dma_start3A_140] : memref<2x224x128xf32, #tpu.memory_space<vmem>> -> memref<1x112x128xf32, #tpu.memory_space<vmem>>
        %dma_start3A_142 = tpu.memref_squeeze %dma_start3A_141 : memref<1x112x128xf32, #tpu.memory_space<vmem>> -> memref<112x128xf32, #tpu.memory_space<vmem>>
        %dma_start3A_143 = tpu.memref_slice %arg5[%add3A_137] : memref<11200xi32, #tpu.memory_space<vmem>> -> memref<112xi32, #tpu.memory_space<vmem>>
        %dma_start3A_144 = arith.constant 0 : i32
        %dma_start3A_145 = arith.constant 0 : i32
        %dma_start3A_146 = tpu.memref_slice %arg3[%dma_start3A_144, %dma_start3A_145] : memref<325304x128xf32, #tpu.memory_space<hbm>> -> memref<325304x128xf32, #tpu.memory_space<hbm>>
        tpu.enqueue_indirect_dma source(%dma_start3A_146 : memref<325304x128xf32, #tpu.memory_space<hbm>>) target(%dma_start3A_142 : memref<112x128xf32, #tpu.memory_space<vmem>>) offsets(%dma_start3A_143 : memref<112xi32, #tpu.memory_space<vmem>>) semaphore(%arg7 : memref<!tpu.dma_semaphore, #tpu.memory_space<semaphore_mem>>)
        %mul3A_147 = arith.constant 224 : i32
        %mul3A_148 = arith.muli %add3A_133, %mul3A_147 : i32
        %add3A_149 = arith.constant 112 : i32
        %add3A_150 = arith.addi %mul3A_148, %add3A_149 : i32
        %dma_start3A_151 = arith.constant 0 : i32
        %dma_start3A_152 = arith.constant 112 : i32
        %dma_start3A_153 = arith.constant 0 : i32
        %dma_start3A_154 = tpu.memref_slice %arg6[%dma_start3A_151, %dma_start3A_152, %dma_start3A_153] : memref<2x224x128xf32, #tpu.memory_space<vmem>> -> memref<1x112x128xf32, #tpu.memory_space<vmem>>
        %dma_start3A_155 = tpu.memref_squeeze %dma_start3A_154 : memref<1x112x128xf32, #tpu.memory_space<vmem>> -> memref<112x128xf32, #tpu.memory_space<vmem>>
        %dma_start3A_156 = tpu.memref_slice %arg5[%add3A_150] : memref<11200xi32, #tpu.memory_space<vmem>> -> memref<112xi32, #tpu.memory_space<vmem>>
        %dma_start3A_157 = arith.constant 0 : i32
        %dma_start3A_158 = arith.constant 0 : i32
        %dma_start3A_159 = tpu.memref_slice %arg3[%dma_start3A_157, %dma_start3A_158] : memref<325304x128xf32, #tpu.memory_space<hbm>> -> memref<325304x128xf32, #tpu.memory_space<hbm>>
        tpu.enqueue_indirect_dma source(%dma_start3A_159 : memref<325304x128xf32, #tpu.memory_space<hbm>>) target(%dma_start3A_155 : memref<112x128xf32, #tpu.memory_space<vmem>>) offsets(%dma_start3A_156 : memref<112xi32, #tpu.memory_space<vmem>>) semaphore(%arg7 : memref<!tpu.dma_semaphore, #tpu.memory_space<semaphore_mem>>)
      } else {
      }
      %mul3A_116 = arith.constant 224 : i32
      %mul3A_117 = arith.muli %add3A_88, %mul3A_116 : i32
      %add3A_118 = arith.addi %mul3A_2, %mul3A_117 : i32
      %dma_start3A_119 = arith.constant 1 : i32
      %dma_start3A_120 = arith.constant 0 : i32
      %dma_start3A_121 = arith.constant 0 : i32
      %dma_start3A_122 = tpu.memref_slice %arg6[%dma_start3A_119, %dma_start3A_120, %dma_start3A_121] : memref<2x224x128xf32, #tpu.memory_space<vmem>> -> memref<1x224x128xf32, #tpu.memory_space<vmem>>
      %dma_start3A_123 = tpu.memref_squeeze %dma_start3A_122 : memref<1x224x128xf32, #tpu.memory_space<vmem>> -> memref<224x128xf32, #tpu.memory_space<vmem>>
      %dma_start3A_124 = arith.constant 0 : i32
      %dma_start3A_125 = tpu.memref_slice %arg4[%add3A_118, %dma_start3A_124] : memref<358400x128xf32, #tpu.memory_space<hbm>> -> memref<224x128xf32, #tpu.memory_space<hbm>>
      %dma_start3A_126 = arith.constant 0 : i32
      %dma_start3A_127 = tpu.memref_slice %arg4[%add3A_118, %dma_start3A_126] : memref<358400x128xf32, #tpu.memory_space<hbm>> -> memref<224x128xf32, #tpu.memory_space<hbm>>
      %dma_start3A_128 = arith.constant 0 : i32
      %dma_start3A_129 = arith.constant 0 : i32
      %dma_start3A_130 = tpu.memref_slice %arg6[%dma_start3A_119, %dma_start3A_128, %dma_start3A_129] : memref<2x224x128xf32, #tpu.memory_space<vmem>> -> memref<1x224x128xf32, #tpu.memory_space<vmem>>
      %dma_start3A_131 = tpu.memref_squeeze %dma_start3A_130 : memref<1x224x128xf32, #tpu.memory_space<vmem>> -> memref<224x128xf32, #tpu.memory_space<vmem>>
      tpu.enqueue_dma source(%dma_start3A_131 : memref<224x128xf32, #tpu.memory_space<vmem>>) target(%dma_start3A_127 : memref<224x128xf32, #tpu.memory_space<hbm>>) target_semaphore(%arg9 : memref<!tpu.dma_semaphore, #tpu.memory_space<semaphore_mem>>)
    }
    %scan3A_28 = arith.constant 25 : i32
    %dma_wait3A = arith.constant 1 : i32
    %dma_wait3A_29 = arith.constant 0 : i32
    %dma_wait3A_30 = arith.constant 0 : i32
    %dma_wait3A_31 = tpu.memref_slice %arg6[%dma_wait3A, %dma_wait3A_29, %dma_wait3A_30] : memref<2x224x128xf32, #tpu.memory_space<vmem>> -> memref<1x224x128xf32, #tpu.memory_space<vmem>>
    %dma_wait3A_32 = tpu.memref_squeeze %dma_wait3A_31 : memref<1x224x128xf32, #tpu.memory_space<vmem>> -> memref<224x128xf32, #tpu.memory_space<vmem>>
    %dma_wait3A_33 = arith.constant 0 : i32
    %dma_wait3A_34 = tpu.memref_slice %arg4[%mul3A_2, %dma_wait3A_33] : memref<358400x128xf32, #tpu.memory_space<hbm>> -> memref<224x128xf32, #tpu.memory_space<hbm>>
    %dma_wait3A_35 = arith.constant 0 : i32
    %dma_wait3A_36 = tpu.memref_slice %arg4[%mul3A_2, %dma_wait3A_35] : memref<358400x128xf32, #tpu.memory_space<hbm>> -> memref<224x128xf32, #tpu.memory_space<hbm>>
    %dma_wait3A_37 = arith.constant 0 : i32
    %dma_wait3A_38 = arith.constant 0 : i32
    %dma_wait3A_39 = tpu.memref_slice %arg6[%dma_wait3A, %dma_wait3A_37, %dma_wait3A_38] : memref<2x224x128xf32, #tpu.memory_space<vmem>> -> memref<1x224x128xf32, #tpu.memory_space<vmem>>
    %dma_wait3A_40 = tpu.memref_squeeze %dma_wait3A_39 : memref<1x224x128xf32, #tpu.memory_space<vmem>> -> memref<224x128xf32, #tpu.memory_space<vmem>>
    tpu.wait_dma2 semaphore(%arg9 : memref<!tpu.dma_semaphore, #tpu.memory_space<semaphore_mem>>) src(%dma_wait3A_40 : memref<224x128xf32, #tpu.memory_space<vmem>>) dst(%dma_wait3A_36 : memref<224x128xf32, #tpu.memory_space<hbm>>)
    return
  }
}

#map = affine_map<(d0, d1) -> (0)>
#map1 = affine_map<(d0, d1) -> (0, 0)>
module attributes {stable_mosaic.version = 14 : i64} {
  func.func @_glyph_gather(%arg0: i32, %arg1: i32, %arg2: memref<358400xi32, #tpu.memory_space<hbm>>, %arg3: memref<325304x128xf32, #tpu.memory_space<hbm>>, %arg4: memref<358400x128xf32, #tpu.memory_space<hbm>>, %arg5: memref<11200xi32, #tpu.memory_space<vmem>>, %arg6: memref<2x224x128xf32, #tpu.memory_space<vmem>>, %arg7: memref<!tpu.dma_semaphore, #tpu.memory_space<semaphore_mem>>, %arg8: memref<!tpu.dma_semaphore, #tpu.memory_space<semaphore_mem>>, %arg9: memref<!tpu.dma_semaphore, #tpu.memory_space<semaphore_mem>>) attributes {dimension_semantics = [#tpu.dimension_semantics<core_parallel>, #tpu.dimension_semantics<subcore_parallel>], iteration_bounds = array<i64: 2, 16>, scalar_prefetch = 0 : i64, scratch_operands = 5 : i64, tpu.core_type = #tpu.core_type<sc_vector_subcore>, window_params = [{transform_indices = #map}, {transform_indices = #map1}, {transform_indices = #map1}]} {
    %mul3A = arith.constant 2 : i32
    %mul3A_0 = arith.muli %arg1, %mul3A : i32
    %add3A = arith.addi %mul3A_0, %arg0 : i32
    %mul3A_1 = arith.constant 11200 : i32
    %mul3A_2 = arith.muli %add3A, %mul3A_1 : i32
    %mul3A_3 = arith.constant 11200 : i32
    %mul3A_4 = arith.muli %add3A, %mul3A_3 : i32
    "tpu.region"() ({
      %run_scoped3A = tpu.sem_alloc : memref<!tpu.dma_semaphore, #tpu.memory_space<semaphore_mem>>
      %dma_start3A_41 = tpu.memref_slice %arg2[%mul3A_4] : memref<358400xi32, #tpu.memory_space<hbm>> -> memref<11200xi32, #tpu.memory_space<hbm>>
      %dma_start3A_42 = tpu.memref_slice %arg2[%mul3A_4] : memref<358400xi32, #tpu.memory_space<hbm>> -> memref<11200xi32, #tpu.memory_space<hbm>>
      tpu.enqueue_dma source(%dma_start3A_42 : memref<11200xi32, #tpu.memory_space<hbm>>) target(%arg5 : memref<11200xi32, #tpu.memory_space<vmem>>) target_semaphore(%run_scoped3A : memref<!tpu.dma_semaphore, #tpu.memory_space<semaphore_mem>>)
      %dma_wait3A_43 = tpu.memref_slice %arg2[%mul3A_4] : memref<358400xi32, #tpu.memory_space<hbm>> -> memref<11200xi32, #tpu.memory_space<hbm>>
      %dma_wait3A_44 = tpu.memref_slice %arg2[%mul3A_4] : memref<358400xi32, #tpu.memory_space<hbm>> -> memref<11200xi32, #tpu.memory_space<hbm>>
      tpu.wait_dma2 semaphore(%run_scoped3A : memref<!tpu.dma_semaphore, #tpu.memory_space<semaphore_mem>>) src(%dma_wait3A_44 : memref<11200xi32, #tpu.memory_space<hbm>>) dst(%arg5 : memref<11200xi32, #tpu.memory_space<vmem>>)
      tpu.yield
    }) : () -> ()
    %dma_start3A = arith.constant 0 : i32
    %dma_start3A_5 = arith.constant 0 : i32
    %dma_start3A_6 = arith.constant 0 : i32
    %dma_start3A_7 = tpu.memref_slice %arg6[%dma_start3A, %dma_start3A_5, %dma_start3A_6] : memref<2x224x128xf32, #tpu.memory_space<vmem>> -> memref<1x112x128xf32, #tpu.memory_space<vmem>>
    %dma_start3A_8 = tpu.memref_squeeze %dma_start3A_7 : memref<1x112x128xf32, #tpu.memory_space<vmem>> -> memref<112x128xf32, #tpu.memory_space<vmem>>
    %dma_start3A_9 = arith.constant 0 : i32
    %dma_start3A_10 = tpu.memref_slice %arg5[%dma_start3A_9] : memref<11200xi32, #tpu.memory_space<vmem>> -> memref<112xi32, #tpu.memory_space<vmem>>
    %dma_start3A_11 = arith.constant 0 : i32
    %dma_start3A_12 = arith.constant 0 : i32
    %dma_start3A_13 = tpu.memref_slice %arg3[%dma_start3A_11, %dma_start3A_12] : memref<325304x128xf32, #tpu.memory_space<hbm>> -> memref<325304x128xf32, #tpu.memory_space<hbm>>
    tpu.enqueue_indirect_dma source(%dma_start3A_13 : memref<325304x128xf32, #tpu.memory_space<hbm>>) target(%dma_start3A_8 : memref<112x128xf32, #tpu.memory_space<vmem>>) offsets(%dma_start3A_10 : memref<112xi32, #tpu.memory_space<vmem>>) semaphore(%arg7 : memref<!tpu.dma_semaphore, #tpu.memory_space<semaphore_mem>>)
    %dma_start3A_14 = arith.constant 0 : i32
    %dma_start3A_15 = arith.constant 112 : i32
    %dma_start3A_16 = arith.constant 0 : i32
    %dma_start3A_17 = tpu.memref_slice %arg6[%dma_start3A_14, %dma_start3A_15, %dma_start3A_16] : memref<2x224x128xf32, #tpu.memory_space<vmem>> -> memref<1x112x128xf32, #tpu.memory_space<vmem>>
    %dma_start3A_18 = tpu.memref_squeeze %dma_start3A_17 : memref<1x112x128xf32, #tpu.memory_space<vmem>> -> memref<112x128xf32, #tpu.memory_space<vmem>>
    %dma_start3A_19 = arith.constant 112 : i32
    %dma_start3A_20 = tpu.memref_slice %arg5[%dma_start3A_19] : memref<11200xi32, #tpu.memory_space<vmem>> -> memref<112xi32, #tpu.memory_space<vmem>>
    %dma_start3A_21 = arith.constant 0 : i32
    %dma_start3A_22 = arith.constant 0 : i32
    %dma_start3A_23 = tpu.memref_slice %arg3[%dma_start3A_21, %dma_start3A_22] : memref<325304x128xf32, #tpu.memory_space<hbm>> -> memref<325304x128xf32, #tpu.memory_space<hbm>>
    tpu.enqueue_indirect_dma source(%dma_start3A_23 : memref<325304x128xf32, #tpu.memory_space<hbm>>) target(%dma_start3A_18 : memref<112x128xf32, #tpu.memory_space<vmem>>) offsets(%dma_start3A_20 : memref<112xi32, #tpu.memory_space<vmem>>) semaphore(%arg7 : memref<!tpu.dma_semaphore, #tpu.memory_space<semaphore_mem>>)
    %scan3A = arith.constant 0 : i32
    %scan3A_24 = arith.constant 0 : i32
    %scan3A_25 = arith.constant 25 : i32
    %scan3A_26 = arith.addi %scan3A_24, %scan3A_25 : i32
    %scan3A_27 = arith.constant 1 : i32
    scf.for %scan3A_41 = %scan3A_24 to %scan3A_26 step %scan3A_27  : i32 {
      %mul3A_42 = arith.constant 2 : i32
      %mul3A_43 = arith.muli %mul3A_42, %scan3A_41 : i32
      %add3A_44 = arith.constant 0 : i32
      %add3A_45 = arith.addi %mul3A_43, %add3A_44 : i32
      %dma_wait3A_46 = arith.constant 0 : i32
      %dma_wait3A_47 = arith.constant 0 : i32
      %dma_wait3A_48 = arith.constant 0 : i32
      %dma_wait3A_49 = tpu.memref_slice %arg6[%dma_wait3A_46, %dma_wait3A_47, %dma_wait3A_48] : memref<2x224x128xf32, #tpu.memory_space<vmem>> -> memref<1x224x128xf32, #tpu.memory_space<vmem>>
      %dma_wait3A_50 = tpu.memref_squeeze %dma_wait3A_49 : memref<1x224x128xf32, #tpu.memory_space<vmem>> -> memref<224x128xf32, #tpu.memory_space<vmem>>
      %dma_wait3A_51 = arith.constant 0 : i32
      %dma_wait3A_52 = arith.constant 0 : i32
      %dma_wait3A_53 = tpu.memref_slice %arg3[%dma_wait3A_51, %dma_wait3A_52] : memref<325304x128xf32, #tpu.memory_space<hbm>> -> memref<224x128xf32, #tpu.memory_space<hbm>>
      %dma_wait3A_54 = arith.constant 0 : i32
      %dma_wait3A_55 = arith.constant 0 : i32
      %dma_wait3A_56 = tpu.memref_slice %arg6[%dma_wait3A_46, %dma_wait3A_54, %dma_wait3A_55] : memref<2x224x128xf32, #tpu.memory_space<vmem>> -> memref<1x224x128xf32, #tpu.memory_space<vmem>>
      %dma_wait3A_57 = tpu.memref_squeeze %dma_wait3A_56 : memref<1x224x128xf32, #tpu.memory_space<vmem>> -> memref<224x128xf32, #tpu.memory_space<vmem>>
      %dma_wait3A_58 = arith.constant 0 : i32
      %dma_wait3A_59 = arith.constant 0 : i32
      %dma_wait3A_60 = tpu.memref_slice %arg3[%dma_wait3A_58, %dma_wait3A_59] : memref<325304x128xf32, #tpu.memory_space<hbm>> -> memref<224x128xf32, #tpu.memory_space<hbm>>
      tpu.wait_dma2 semaphore(%arg7 : memref<!tpu.dma_semaphore, #tpu.memory_space<semaphore_mem>>) src(%dma_wait3A_60 : memref<224x128xf32, #tpu.memory_space<hbm>>) dst(%dma_wait3A_57 : memref<224x128xf32, #tpu.memory_space<vmem>>)
      %ge3A = arith.constant 1 : i32
      %ge3A_61 = arith.cmpi sge, %add3A_45, %ge3A : i32
      %convert_element_type3A = arith.extui %ge3A_61 : i1 to i32
      %cond3A = arith.constant 0 : i32
      %cond3A_62 = arith.cmpi ne, %convert_element_type3A, %cond3A : i32
      scf.if %cond3A_62 {
        %dma_wait3A_132 = arith.constant 1 : i32
        %dma_wait3A_133 = arith.constant 0 : i32
        %dma_wait3A_134 = arith.constant 0 : i32
        %dma_wait3A_135 = tpu.memref_slice %arg6[%dma_wait3A_132, %dma_wait3A_133, %dma_wait3A_134] : memref<2x224x128xf32, #tpu.memory_space<vmem>> -> memref<1x224x128xf32, #tpu.memory_space<vmem>>
        %dma_wait3A_136 = tpu.memref_squeeze %dma_wait3A_135 : memref<1x224x128xf32, #tpu.memory_space<vmem>> -> memref<224x128xf32, #tpu.memory_space<vmem>>
        %dma_wait3A_137 = arith.constant 0 : i32
        %dma_wait3A_138 = tpu.memref_slice %arg4[%mul3A_2, %dma_wait3A_137] : memref<358400x128xf32, #tpu.memory_space<hbm>> -> memref<224x128xf32, #tpu.memory_space<hbm>>
        %dma_wait3A_139 = arith.constant 0 : i32
        %dma_wait3A_140 = tpu.memref_slice %arg4[%mul3A_2, %dma_wait3A_139] : memref<358400x128xf32, #tpu.memory_space<hbm>> -> memref<224x128xf32, #tpu.memory_space<hbm>>
        %dma_wait3A_141 = arith.constant 0 : i32
        %dma_wait3A_142 = arith.constant 0 : i32
        %dma_wait3A_143 = tpu.memref_slice %arg6[%dma_wait3A_132, %dma_wait3A_141, %dma_wait3A_142] : memref<2x224x128xf32, #tpu.memory_space<vmem>> -> memref<1x224x128xf32, #tpu.memory_space<vmem>>
        %dma_wait3A_144 = tpu.memref_squeeze %dma_wait3A_143 : memref<1x224x128xf32, #tpu.memory_space<vmem>> -> memref<224x128xf32, #tpu.memory_space<vmem>>
        tpu.wait_dma2 semaphore(%arg9 : memref<!tpu.dma_semaphore, #tpu.memory_space<semaphore_mem>>) src(%dma_wait3A_144 : memref<224x128xf32, #tpu.memory_space<vmem>>) dst(%dma_wait3A_140 : memref<224x128xf32, #tpu.memory_space<hbm>>)
      } else {
      }
      %add3A_63 = arith.constant 1 : i32
      %add3A_64 = arith.addi %add3A_45, %add3A_63 : i32
      %lt3A = arith.constant 50 : i32
      %lt3A_65 = arith.cmpi slt, %add3A_64, %lt3A : i32
      %convert_element_type3A_66 = arith.extui %lt3A_65 : i1 to i32
      %cond3A_67 = arith.constant 0 : i32
      %cond3A_68 = arith.cmpi ne, %convert_element_type3A_66, %cond3A_67 : i32
      scf.if %cond3A_68 {
        %add3A_132 = arith.constant 1 : i32
        %add3A_133 = arith.addi %add3A_45, %add3A_132 : i32
        %mul3A_134 = arith.constant 224 : i32
        %mul3A_135 = arith.muli %add3A_133, %mul3A_134 : i32
        %add3A_136 = arith.constant 0 : i32
        %add3A_137 = arith.addi %mul3A_135, %add3A_136 : i32
        %dma_start3A_138 = arith.constant 1 : i32
        %dma_start3A_139 = arith.constant 0 : i32
        %dma_start3A_140 = arith.constant 0 : i32
        %dma_start3A_141 = tpu.memref_slice %arg6[%dma_start3A_138, %dma_start3A_139, %dma_start3A_140] : memref<2x224x128xf32, #tpu.memory_space<vmem>> -> memref<1x112x128xf32, #tpu.memory_space<vmem>>
        %dma_start3A_142 = tpu.memref_squeeze %dma_start3A_141 : memref<1x112x128xf32, #tpu.memory_space<vmem>> -> memref<112x128xf32, #tpu.memory_space<vmem>>
        %dma_start3A_143 = tpu.memref_slice %arg5[%add3A_137] : memref<11200xi32, #tpu.memory_space<vmem>> -> memref<112xi32, #tpu.memory_space<vmem>>
        %dma_start3A_144 = arith.constant 0 : i32
        %dma_start3A_145 = arith.constant 0 : i32
        %dma_start3A_146 = tpu.memref_slice %arg3[%dma_start3A_144, %dma_start3A_145] : memref<325304x128xf32, #tpu.memory_space<hbm>> -> memref<325304x128xf32, #tpu.memory_space<hbm>>
        tpu.enqueue_indirect_dma source(%dma_start3A_146 : memref<325304x128xf32, #tpu.memory_space<hbm>>) target(%dma_start3A_142 : memref<112x128xf32, #tpu.memory_space<vmem>>) offsets(%dma_start3A_143 : memref<112xi32, #tpu.memory_space<vmem>>) semaphore(%arg7 : memref<!tpu.dma_semaphore, #tpu.memory_space<semaphore_mem>>)
        %mul3A_147 = arith.constant 224 : i32
        %mul3A_148 = arith.muli %add3A_133, %mul3A_147 : i32
        %add3A_149 = arith.constant 112 : i32
        %add3A_150 = arith.addi %mul3A_148, %add3A_149 : i32
        %dma_start3A_151 = arith.constant 1 : i32
        %dma_start3A_152 = arith.constant 112 : i32
        %dma_start3A_153 = arith.constant 0 : i32
        %dma_start3A_154 = tpu.memref_slice %arg6[%dma_start3A_151, %dma_start3A_152, %dma_start3A_153] : memref<2x224x128xf32, #tpu.memory_space<vmem>> -> memref<1x112x128xf32, #tpu.memory_space<vmem>>
        %dma_start3A_155 = tpu.memref_squeeze %dma_start3A_154 : memref<1x112x128xf32, #tpu.memory_space<vmem>> -> memref<112x128xf32, #tpu.memory_space<vmem>>
        %dma_start3A_156 = tpu.memref_slice %arg5[%add3A_150] : memref<11200xi32, #tpu.memory_space<vmem>> -> memref<112xi32, #tpu.memory_space<vmem>>
        %dma_start3A_157 = arith.constant 0 : i32
        %dma_start3A_158 = arith.constant 0 : i32
        %dma_start3A_159 = tpu.memref_slice %arg3[%dma_start3A_157, %dma_start3A_158] : memref<325304x128xf32, #tpu.memory_space<hbm>> -> memref<325304x128xf32, #tpu.memory_space<hbm>>
        tpu.enqueue_indirect_dma source(%dma_start3A_159 : memref<325304x128xf32, #tpu.memory_space<hbm>>) target(%dma_start3A_155 : memref<112x128xf32, #tpu.memory_space<vmem>>) offsets(%dma_start3A_156 : memref<112xi32, #tpu.memory_space<vmem>>) semaphore(%arg7 : memref<!tpu.dma_semaphore, #tpu.memory_space<semaphore_mem>>)
      } else {
      }
      %mul3A_69 = arith.constant 224 : i32
      %mul3A_70 = arith.muli %add3A_45, %mul3A_69 : i32
      %add3A_71 = arith.addi %mul3A_2, %mul3A_70 : i32
      %dma_start3A_72 = arith.constant 0 : i32
      %dma_start3A_73 = arith.constant 0 : i32
      %dma_start3A_74 = arith.constant 0 : i32
      %dma_start3A_75 = tpu.memref_slice %arg6[%dma_start3A_72, %dma_start3A_73, %dma_start3A_74] : memref<2x224x128xf32, #tpu.memory_space<vmem>> -> memref<1x224x128xf32, #tpu.memory_space<vmem>>
      %dma_start3A_76 = tpu.memref_squeeze %dma_start3A_75 : memref<1x224x128xf32, #tpu.memory_space<vmem>> -> memref<224x128xf32, #tpu.memory_space<vmem>>
      %dma_start3A_77 = arith.constant 0 : i32
      %dma_start3A_78 = tpu.memref_slice %arg4[%add3A_71, %dma_start3A_77] : memref<358400x128xf32, #tpu.memory_space<hbm>> -> memref<224x128xf32, #tpu.memory_space<hbm>>
      %dma_start3A_79 = arith.constant 0 : i32
      %dma_start3A_80 = tpu.memref_slice %arg4[%add3A_71, %dma_start3A_79] : memref<358400x128xf32, #tpu.memory_space<hbm>> -> memref<224x128xf32, #tpu.memory_space<hbm>>
      %dma_start3A_81 = arith.constant 0 : i32
      %dma_start3A_82 = arith.constant 0 : i32
      %dma_start3A_83 = tpu.memref_slice %arg6[%dma_start3A_72, %dma_start3A_81, %dma_start3A_82] : memref<2x224x128xf32, #tpu.memory_space<vmem>> -> memref<1x224x128xf32, #tpu.memory_space<vmem>>
      %dma_start3A_84 = tpu.memref_squeeze %dma_start3A_83 : memref<1x224x128xf32, #tpu.memory_space<vmem>> -> memref<224x128xf32, #tpu.memory_space<vmem>>
      tpu.enqueue_dma source(%dma_start3A_84 : memref<224x128xf32, #tpu.memory_space<vmem>>) target(%dma_start3A_80 : memref<224x128xf32, #tpu.memory_space<hbm>>) target_semaphore(%arg8 : memref<!tpu.dma_semaphore, #tpu.memory_space<semaphore_mem>>)
      %mul3A_85 = arith.constant 2 : i32
      %mul3A_86 = arith.muli %mul3A_85, %scan3A_41 : i32
      %add3A_87 = arith.constant 1 : i32
      %add3A_88 = arith.addi %mul3A_86, %add3A_87 : i32
      %dma_wait3A_89 = arith.constant 1 : i32
      %dma_wait3A_90 = arith.constant 0 : i32
      %dma_wait3A_91 = arith.constant 0 : i32
      %dma_wait3A_92 = tpu.memref_slice %arg6[%dma_wait3A_89, %dma_wait3A_90, %dma_wait3A_91] : memref<2x224x128xf32, #tpu.memory_space<vmem>> -> memref<1x224x128xf32, #tpu.memory_space<vmem>>
      %dma_wait3A_93 = tpu.memref_squeeze %dma_wait3A_92 : memref<1x224x128xf32, #tpu.memory_space<vmem>> -> memref<224x128xf32, #tpu.memory_space<vmem>>
      %dma_wait3A_94 = arith.constant 0 : i32
      %dma_wait3A_95 = arith.constant 0 : i32
      %dma_wait3A_96 = tpu.memref_slice %arg3[%dma_wait3A_94, %dma_wait3A_95] : memref<325304x128xf32, #tpu.memory_space<hbm>> -> memref<224x128xf32, #tpu.memory_space<hbm>>
      %dma_wait3A_97 = arith.constant 0 : i32
      %dma_wait3A_98 = arith.constant 0 : i32
      %dma_wait3A_99 = tpu.memref_slice %arg6[%dma_wait3A_89, %dma_wait3A_97, %dma_wait3A_98] : memref<2x224x128xf32, #tpu.memory_space<vmem>> -> memref<1x224x128xf32, #tpu.memory_space<vmem>>
      %dma_wait3A_100 = tpu.memref_squeeze %dma_wait3A_99 : memref<1x224x128xf32, #tpu.memory_space<vmem>> -> memref<224x128xf32, #tpu.memory_space<vmem>>
      %dma_wait3A_101 = arith.constant 0 : i32
      %dma_wait3A_102 = arith.constant 0 : i32
      %dma_wait3A_103 = tpu.memref_slice %arg3[%dma_wait3A_101, %dma_wait3A_102] : memref<325304x128xf32, #tpu.memory_space<hbm>> -> memref<224x128xf32, #tpu.memory_space<hbm>>
      tpu.wait_dma2 semaphore(%arg7 : memref<!tpu.dma_semaphore, #tpu.memory_space<semaphore_mem>>) src(%dma_wait3A_103 : memref<224x128xf32, #tpu.memory_space<hbm>>) dst(%dma_wait3A_100 : memref<224x128xf32, #tpu.memory_space<vmem>>)
      %ge3A_104 = arith.constant 1 : i32
      %ge3A_105 = arith.cmpi sge, %add3A_88, %ge3A_104 : i32
      %convert_element_type3A_106 = arith.extui %ge3A_105 : i1 to i32
      %cond3A_107 = arith.constant 0 : i32
      %cond3A_108 = arith.cmpi ne, %convert_element_type3A_106, %cond3A_107 : i32
      scf.if %cond3A_108 {
        %dma_wait3A_132 = arith.constant 0 : i32
        %dma_wait3A_133 = arith.constant 0 : i32
        %dma_wait3A_134 = arith.constant 0 : i32
        %dma_wait3A_135 = tpu.memref_slice %arg6[%dma_wait3A_132, %dma_wait3A_133, %dma_wait3A_134] : memref<2x224x128xf32, #tpu.memory_space<vmem>> -> memref<1x224x128xf32, #tpu.memory_space<vmem>>
        %dma_wait3A_136 = tpu.memref_squeeze %dma_wait3A_135 : memref<1x224x128xf32, #tpu.memory_space<vmem>> -> memref<224x128xf32, #tpu.memory_space<vmem>>
        %dma_wait3A_137 = arith.constant 0 : i32
        %dma_wait3A_138 = tpu.memref_slice %arg4[%mul3A_2, %dma_wait3A_137] : memref<358400x128xf32, #tpu.memory_space<hbm>> -> memref<224x128xf32, #tpu.memory_space<hbm>>
        %dma_wait3A_139 = arith.constant 0 : i32
        %dma_wait3A_140 = tpu.memref_slice %arg4[%mul3A_2, %dma_wait3A_139] : memref<358400x128xf32, #tpu.memory_space<hbm>> -> memref<224x128xf32, #tpu.memory_space<hbm>>
        %dma_wait3A_141 = arith.constant 0 : i32
        %dma_wait3A_142 = arith.constant 0 : i32
        %dma_wait3A_143 = tpu.memref_slice %arg6[%dma_wait3A_132, %dma_wait3A_141, %dma_wait3A_142] : memref<2x224x128xf32, #tpu.memory_space<vmem>> -> memref<1x224x128xf32, #tpu.memory_space<vmem>>
        %dma_wait3A_144 = tpu.memref_squeeze %dma_wait3A_143 : memref<1x224x128xf32, #tpu.memory_space<vmem>> -> memref<224x128xf32, #tpu.memory_space<vmem>>
        tpu.wait_dma2 semaphore(%arg8 : memref<!tpu.dma_semaphore, #tpu.memory_space<semaphore_mem>>) src(%dma_wait3A_144 : memref<224x128xf32, #tpu.memory_space<vmem>>) dst(%dma_wait3A_140 : memref<224x128xf32, #tpu.memory_space<hbm>>)
      } else {
      }
      %add3A_109 = arith.constant 1 : i32
      %add3A_110 = arith.addi %add3A_88, %add3A_109 : i32
      %lt3A_111 = arith.constant 50 : i32
      %lt3A_112 = arith.cmpi slt, %add3A_110, %lt3A_111 : i32
      %convert_element_type3A_113 = arith.extui %lt3A_112 : i1 to i32
      %cond3A_114 = arith.constant 0 : i32
      %cond3A_115 = arith.cmpi ne, %convert_element_type3A_113, %cond3A_114 : i32
      scf.if %cond3A_115 {
        %add3A_132 = arith.constant 1 : i32
        %add3A_133 = arith.addi %add3A_88, %add3A_132 : i32
        %mul3A_134 = arith.constant 224 : i32
        %mul3A_135 = arith.muli %add3A_133, %mul3A_134 : i32
        %add3A_136 = arith.constant 0 : i32
        %add3A_137 = arith.addi %mul3A_135, %add3A_136 : i32
        %dma_start3A_138 = arith.constant 0 : i32
        %dma_start3A_139 = arith.constant 0 : i32
        %dma_start3A_140 = arith.constant 0 : i32
        %dma_start3A_141 = tpu.memref_slice %arg6[%dma_start3A_138, %dma_start3A_139, %dma_start3A_140] : memref<2x224x128xf32, #tpu.memory_space<vmem>> -> memref<1x112x128xf32, #tpu.memory_space<vmem>>
        %dma_start3A_142 = tpu.memref_squeeze %dma_start3A_141 : memref<1x112x128xf32, #tpu.memory_space<vmem>> -> memref<112x128xf32, #tpu.memory_space<vmem>>
        %dma_start3A_143 = tpu.memref_slice %arg5[%add3A_137] : memref<11200xi32, #tpu.memory_space<vmem>> -> memref<112xi32, #tpu.memory_space<vmem>>
        %dma_start3A_144 = arith.constant 0 : i32
        %dma_start3A_145 = arith.constant 0 : i32
        %dma_start3A_146 = tpu.memref_slice %arg3[%dma_start3A_144, %dma_start3A_145] : memref<325304x128xf32, #tpu.memory_space<hbm>> -> memref<325304x128xf32, #tpu.memory_space<hbm>>
        tpu.enqueue_indirect_dma source(%dma_start3A_146 : memref<325304x128xf32, #tpu.memory_space<hbm>>) target(%dma_start3A_142 : memref<112x128xf32, #tpu.memory_space<vmem>>) offsets(%dma_start3A_143 : memref<112xi32, #tpu.memory_space<vmem>>) semaphore(%arg7 : memref<!tpu.dma_semaphore, #tpu.memory_space<semaphore_mem>>)
        %mul3A_147 = arith.constant 224 : i32
        %mul3A_148 = arith.muli %add3A_133, %mul3A_147 : i32
        %add3A_149 = arith.constant 112 : i32
        %add3A_150 = arith.addi %mul3A_148, %add3A_149 : i32
        %dma_start3A_151 = arith.constant 0 : i32
        %dma_start3A_152 = arith.constant 112 : i32
        %dma_start3A_153 = arith.constant 0 : i32
        %dma_start3A_154 = tpu.memref_slice %arg6[%dma_start3A_151, %dma_start3A_152, %dma_start3A_153] : memref<2x224x128xf32, #tpu.memory_space<vmem>> -> memref<1x112x128xf32, #tpu.memory_space<vmem>>
        %dma_start3A_155 = tpu.memref_squeeze %dma_start3A_154 : memref<1x112x128xf32, #tpu.memory_space<vmem>> -> memref<112x128xf32, #tpu.memory_space<vmem>>
        %dma_start3A_156 = tpu.memref_slice %arg5[%add3A_150] : memref<11200xi32, #tpu.memory_space<vmem>> -> memref<112xi32, #tpu.memory_space<vmem>>
        %dma_start3A_157 = arith.constant 0 : i32
        %dma_start3A_158 = arith.constant 0 : i32
        %dma_start3A_159 = tpu.memref_slice %arg3[%dma_start3A_157, %dma_start3A_158] : memref<325304x128xf32, #tpu.memory_space<hbm>> -> memref<325304x128xf32, #tpu.memory_space<hbm>>
        tpu.enqueue_indirect_dma source(%dma_start3A_159 : memref<325304x128xf32, #tpu.memory_space<hbm>>) target(%dma_start3A_155 : memref<112x128xf32, #tpu.memory_space<vmem>>) offsets(%dma_start3A_156 : memref<112xi32, #tpu.memory_space<vmem>>) semaphore(%arg7 : memref<!tpu.dma_semaphore, #tpu.memory_space<semaphore_mem>>)
      } else {
      }
      %mul3A_116 = arith.constant 224 : i32
      %mul3A_117 = arith.muli %add3A_88, %mul3A_116 : i32
      %add3A_118 = arith.addi %mul3A_2, %mul3A_117 : i32
      %dma_start3A_119 = arith.constant 1 : i32
      %dma_start3A_120 = arith.constant 0 : i32
      %dma_start3A_121 = arith.constant 0 : i32
      %dma_start3A_122 = tpu.memref_slice %arg6[%dma_start3A_119, %dma_start3A_120, %dma_start3A_121] : memref<2x224x128xf32, #tpu.memory_space<vmem>> -> memref<1x224x128xf32, #tpu.memory_space<vmem>>
      %dma_start3A_123 = tpu.memref_squeeze %dma_start3A_122 : memref<1x224x128xf32, #tpu.memory_space<vmem>> -> memref<224x128xf32, #tpu.memory_space<vmem>>
      %dma_start3A_124 = arith.constant 0 : i32
      %dma_start3A_125 = tpu.memref_slice %arg4[%add3A_118, %dma_start3A_124] : memref<358400x128xf32, #tpu.memory_space<hbm>> -> memref<224x128xf32, #tpu.memory_space<hbm>>
      %dma_start3A_126 = arith.constant 0 : i32
      %dma_start3A_127 = tpu.memref_slice %arg4[%add3A_118, %dma_start3A_126] : memref<358400x128xf32, #tpu.memory_space<hbm>> -> memref<224x128xf32, #tpu.memory_space<hbm>>
      %dma_start3A_128 = arith.constant 0 : i32
      %dma_start3A_129 = arith.constant 0 : i32
      %dma_start3A_130 = tpu.memref_slice %arg6[%dma_start3A_119, %dma_start3A_128, %dma_start3A_129] : memref<2x224x128xf32, #tpu.memory_space<vmem>> -> memref<1x224x128xf32, #tpu.memory_space<vmem>>
      %dma_start3A_131 = tpu.memref_squeeze %dma_start3A_130 : memref<1x224x128xf32, #tpu.memory_space<vmem>> -> memref<224x128xf32, #tpu.memory_space<vmem>>
      tpu.enqueue_dma source(%dma_start3A_131 : memref<224x128xf32, #tpu.memory_space<vmem>>) target(%dma_start3A_127 : memref<224x128xf32, #tpu.memory_space<hbm>>) target_semaphore(%arg9 : memref<!tpu.dma_semaphore, #tpu.memory_space<semaphore_mem>>)
    }
    %scan3A_28 = arith.constant 25 : i32
    %dma_wait3A = arith.constant 1 : i32
    %dma_wait3A_29 = arith.constant 0 : i32
    %dma_wait3A_30 = arith.constant 0 : i32
    %dma_wait3A_31 = tpu.memref_slice %arg6[%dma_wait3A, %dma_wait3A_29, %dma_wait3A_30] : memref<2x224x128xf32, #tpu.memory_space<vmem>> -> memref<1x224x128xf32, #tpu.memory_space<vmem>>
    %dma_wait3A_32 = tpu.memref_squeeze %dma_wait3A_31 : memref<1x224x128xf32, #tpu.memory_space<vmem>> -> memref<224x128xf32, #tpu.memory_space<vmem>>
    %dma_wait3A_33 = arith.constant 0 : i32
    %dma_wait3A_34 = tpu.memref_slice %arg4[%mul3A_2, %dma_wait3A_33] : memref<358400x128xf32, #tpu.memory_space<hbm>> -> memref<224x128xf32, #tpu.memory_space<hbm>>
    %dma_wait3A_35 = arith.constant 0 : i32
    %dma_wait3A_36 = tpu.memref_slice %arg4[%mul3A_2, %dma_wait3A_35] : memref<358400x128xf32, #tpu.memory_space<hbm>> -> memref<224x128xf32, #tpu.memory_space<hbm>>
    %dma_wait3A_37 = arith.constant 0 : i32
    %dma_wait3A_38 = arith.constant 0 : i32
    %dma_wait3A_39 = tpu.memref_slice %arg6[%dma_wait3A, %dma_wait3A_37, %dma_wait3A_38] : memref<2x224x128xf32, #tpu.memory_space<vmem>> -> memref<1x224x128xf32, #tpu.memory_space<vmem>>
    %dma_wait3A_40 = tpu.memref_squeeze %dma_wait3A_39 : memref<1x224x128xf32, #tpu.memory_space<vmem>> -> memref<224x128xf32, #tpu.memory_space<vmem>>
    tpu.wait_dma2 semaphore(%arg9 : memref<!tpu.dma_semaphore, #tpu.memory_space<semaphore_mem>>) src(%dma_wait3A_40 : memref<224x128xf32, #tpu.memory_space<vmem>>) dst(%dma_wait3A_36 : memref<224x128xf32, #tpu.memory_space<hbm>>)
    return
  }
}

module attributes {stable_mosaic.version = 14 : i64} {
  func.func @_pad_body(%arg0: i32, %arg1: memref<512x1728xf32, #tpu.memory_space<vmem>>, %arg2: memref<7168x128xf32, #tpu.memory_space<vmem>>) attributes {dimension_semantics = [#tpu.dimension_semantics<arbitrary>], iteration_bounds = array<i64: 46>, scalar_prefetch = 0 : i64, scratch_operands = 0 : i64, tpu.core_type = #tpu.core_type<tc>, window_params = [{transform_indices = @transform_0, window_bounds = array<i64: 512, 1728>}, {transform_indices = @transform_1, window_bounds = array<i64: 7168, 128>}]} {
    %get3A = arith.constant 0 : index
    %get3A_0 = arith.constant 0 : index
    %get3A_1 = vector.load %arg1[%get3A, %get3A_0] : memref<512x1728xf32, #tpu.memory_space<vmem>>, vector<512x1728xf32>
    %jit3A = arith.constant 0 : i32
    %convert_element_type3A = arith.sitofp %jit3A : i32 to f32
    %pad3A = vector.broadcast %convert_element_type3A : f32 to vector<512x64xf32>
    %pad3A_2 = tpu.concatenate %get3A_1, %pad3A in 1 : vector<512x1728xf32>, vector<512x64xf32> -> vector<512x1792xf32>
    %reshape3A = vector.shape_cast %pad3A_2 : vector<512x1792xf32> to vector<7168x128xf32>
    %swap3A = arith.constant 0 : index
    %swap3A_3 = arith.constant 0 : index
    %swap3A_4 = vector.load %arg2[%swap3A, %swap3A_3] : memref<7168x128xf32, #tpu.memory_space<vmem>>, vector<7168x128xf32>
    tpu.vector_store %arg2[%swap3A, %swap3A_3], %reshape3A {strides = array<i32>} : memref<7168x128xf32, #tpu.memory_space<vmem>>, vector<7168x128xf32>,
    return
  }
  func.func @transform_0(%arg0: i32) -> (i32, i32) {
    %c0_i32 = arith.constant 0 : i32
    %c0_i32_0 = arith.constant 0 : i32
    return %arg0, %c0_i32 : i32, i32
  }
  func.func @transform_1(%arg0: i32) -> (i32, i32) {
    %c0_i32 = arith.constant 0 : i32
    %c0_i32_0 = arith.constant 0 : i32
    return %arg0, %c0_i32 : i32, i32
  }
}

module attributes {stable_mosaic.version = 14 : i64} {
  func.func @_det_body(%arg0: i32, %arg1: memref<5600x128xf32, #tpu.memory_space<vmem>>, %arg2: memref<8x50x1728xf32, #tpu.memory_space<vmem>>) attributes {dimension_semantics = [#tpu.dimension_semantics<arbitrary>], iteration_bounds = array<i64: 64>, scalar_prefetch = 0 : i64, scratch_operands = 0 : i64, tpu.core_type = #tpu.core_type<tc>, window_params = [{transform_indices = @transform_0, window_bounds = array<i64: 5600, 128>}, {transform_indices = @transform_1, window_bounds = array<i64: 8, 50, 1728>}]} {
    %get3A = arith.constant 0 : index
    %get3A_0 = arith.constant 0 : index
    %get3A_1 = vector.load %arg1[%get3A, %get3A_0] : memref<5600x128xf32, #tpu.memory_space<vmem>>, vector<5600x128xf32>
    %reshape3A = vector.shape_cast %get3A_1 : vector<5600x128xf32> to vector<400x1792xf32>
    %slice3A = vector.extract_strided_slice %reshape3A {offsets = [0, 0], sizes = [400, 1728], strides = [1, 1]} : vector<400x1792xf32> to vector<400x1728xf32>
    %reshape3A_2 = vector.shape_cast %slice3A : vector<400x1728xf32> to vector<8x50x1728xf32>
    %swap3A = arith.constant 0 : index
    %swap3A_3 = arith.constant 0 : index
    %swap3A_4 = arith.constant 0 : index
    %swap3A_5 = vector.load %arg2[%swap3A, %swap3A_3, %swap3A_4] : memref<8x50x1728xf32, #tpu.memory_space<vmem>>, vector<8x50x1728xf32>
    tpu.vector_store %arg2[%swap3A, %swap3A_3, %swap3A_4], %reshape3A_2 {strides = array<i32>} : memref<8x50x1728xf32, #tpu.memory_space<vmem>>, vector<8x50x1728xf32>,
    return
  }
  func.func @transform_0(%arg0: i32) -> (i32, i32) {
    %c0_i32 = arith.constant 0 : i32
    %c0_i32_0 = arith.constant 0 : i32
    return %arg0, %c0_i32 : i32, i32
  }
  func.func @transform_1(%arg0: i32) -> (i32, i32, i32) {
    %add3A = arith.constant 0 : i32
    %add3A_0 = arith.addi %arg0, %add3A : i32
    %c0_i32 = arith.constant 0 : i32
    %c0_i32_1 = arith.constant 0 : i32
    %c0_i32_2 = arith.constant 0 : i32
    return %add3A_0, %c0_i32, %c0_i32_1 : i32, i32, i32
  }
}

module attributes {stable_mosaic.version = 14 : i64} {
  func.func @_det_body_acc(%arg0: i32, %arg1: memref<5600x128xf32, #tpu.memory_space<vmem>>, %arg2: memref<1024x50x1728xf32, #tpu.memory_space<any>>, %arg3: memref<8x50x1728xf32, #tpu.memory_space<vmem>>) attributes {dimension_semantics = [#tpu.dimension_semantics<arbitrary>], iteration_bounds = array<i64: 64>, scalar_prefetch = 0 : i64, scratch_operands = 0 : i64, tpu.core_type = #tpu.core_type<tc>, window_params = [{transform_indices = @transform_0, window_bounds = array<i64: 5600, 128>}, {}, {transform_indices = @transform_2, window_bounds = array<i64: 8, 50, 1728>}]} {
    %get3A = arith.constant 0 : index
    %get3A_0 = arith.constant 0 : index
    %get3A_1 = vector.load %arg1[%get3A, %get3A_0] : memref<5600x128xf32, #tpu.memory_space<vmem>>, vector<5600x128xf32>
    %reshape3A = vector.shape_cast %get3A_1 : vector<5600x128xf32> to vector<400x1792xf32>
    %slice3A = vector.extract_strided_slice %reshape3A {offsets = [0, 0], sizes = [400, 1728], strides = [1, 1]} : vector<400x1792xf32> to vector<400x1728xf32>
    %reshape3A_2 = vector.shape_cast %slice3A : vector<400x1728xf32> to vector<8x50x1728xf32>
    %swap3A = arith.constant 0 : index
    %swap3A_3 = arith.constant 0 : index
    %swap3A_4 = arith.constant 0 : index
    %swap3A_5 = vector.load %arg3[%swap3A, %swap3A_3, %swap3A_4] : memref<8x50x1728xf32, #tpu.memory_space<vmem>>, vector<8x50x1728xf32>
    tpu.vector_store %arg3[%swap3A, %swap3A_3, %swap3A_4], %reshape3A_2 {strides = array<i32>} : memref<8x50x1728xf32, #tpu.memory_space<vmem>>, vector<8x50x1728xf32>,
    return
  }
  func.func @transform_0(%arg0: i32) -> (i32, i32) {
    %c0_i32 = arith.constant 0 : i32
    %c0_i32_0 = arith.constant 0 : i32
    return %arg0, %c0_i32 : i32, i32
  }
  func.func @transform_2(%arg0: i32) -> (i32, i32, i32) {
    %add3A = arith.constant 64 : i32
    %add3A_0 = arith.addi %arg0, %add3A : i32
    %c0_i32 = arith.constant 0 : i32
    %c0_i32_1 = arith.constant 0 : i32
    %c0_i32_2 = arith.constant 0 : i32
    return %add3A_0, %c0_i32, %c0_i32_1 : i32, i32, i32
  }
}

</mosaic_0001>

<sc_bundles>
// kernel: kernel.10.cloned.1.call-start
scs
__scs_entry_jumppad:
0x0: {  	(pc) =	sbr.rel $0x88, $3  }
0x1: {  	(tag) =	ssettag $0x0;
	lr =	simm.s32 $0x1  }
0x2: {  	[smem:$0x3F9F] =	sst lr;
	_ =	strace $0xD0000000  }
0x3: {  	_ = 	snop  }
0x4: {  	_ = 	snop  }
0x5: {  	_ = 	snop  }
0x6: {  	_ = 	snop  }
0x7: {  	_ = 	snop  }
__scs_overlays_trampoline_lowered:
0x8: {  	[smem:$0x3FAE] =	sst s0  }
0x9: {  	[smem:$0x3FAF] =	sst s1  }
0xa: {  	[smem:$0x3FB0] =	sst s2  }
0xb: {  	[smem:$0x3FB1] =	sst s3  }
0xc: {  	[smem:$0x3FB2] =	sst s4  }
0xd: {  	[smem:$0x3FB3] =	sst s5  }
0xe: {  	[smem:$0x3FB4] =	sst s6  }
0xf: {  	[smem:$0x3FB5] =	sst s7  }
0x10: {  	[smem:$0x3FB6] =	sst s8  }
0x11: {  	[smem:$0x3FB7] =	sst s9;
	s0 =	simm.s32 @!p0 $0x0  }
0x12: {  	s1 =	sld [smem:$0x3F9D];
	s0 =	simm.s32 @p0 $0x1  }
0x13: {  	[smem:$0x3FB8] =	sst s0;
	s0 =	simm.s32 @!p1 $0x0  }
0x14: {  	s2 =	sld [smem:$0x3F9C];
	s0 =	simm.s32 @p1 $0x1  }
0x15: {  	[smem:$0x3FB9] =	sst s0;
	s0 =	simm.s32 @!p2 $0x0  }
0x16: {  	s3 =	sld [smem:$0x3FDB];
	s0 =	simm.s32 @p2 $0x1  }
0x17: {  	s4 =	simm.s32 $0x1BF5;
	[smem:$0x3FBB] =	sst s0  }
0x18: {  	s0 =	sld [smem:$0x3F9E];
	_ =	swait.ge [sflag:s4], $0x0  }
0x19: {  	s7 =	sld [smem:$0x3F9F]  }
0x1a: {  	s8 =	sadd.s32 $0xFFFFE003, lr  }
0x1b: {  	s9 =	sadd.s32 $0xFFFFFEF7, lr;
	s5 =	simm.s32 $0xFFFFFFFF;
	p2 =	slt.u32 s8, $0xFFFFF086  }
0x1c: {  	p1 =	slt.u32 s9, $0xF7A;
	s5 =	simm.s32 @!p2 $0x0  }
0x1d: {  	s5 =	simm.s32 @p1 $0x1;
	p0 =	seq.s32 s7, s2  }
0x1e: {  	s7 =	smul.u32 @!p0 $0xF7A, s2;
	p2 =	seq.s32 @!p0 s5, $0x0  }
0x1f: {  	s9 =	smul.u32 $0xF7A, s1;
	s8 =	simm.s32 @!p0 $0x1BF5;
	p2 =	por !p2, p0  }
0x20: {  	[sflag:s8] =	ssyncset.s32 @!p0 $0xFFFFF086;
	s6 =	sadd.s32 @!p0 s3, s7;
	s7 =	simm.s32 @!p0 $0x108  }
0x21: {  	s3 =	sadd.s32 s3, s9;
	s6 =	sadd.s32 @!p0 $0x88, s6;
	s7 =	simm.s32 @p2 $0x1082  }
0x22: {  	[simem:s7], [sflag:s8] =	dma.local @!p0 [hbm:s6], $0xF7A  }
0x23: {  	s9 =	sor.u32 $0xD0000000, s2;
	s6 =	simm.s32 $0x108;
	_ =	swait.ge @!p0 [sflag:s8], $0x0  }
0x24: {  	s3 =	sadd.s32 $0x88, s3;
	s6 =	simm.s32 @!p1 $0x1082;
	[sflag:s4] =	ssyncset.s32 $0xFFFFF086  }
0x25: {  	[simem:s6], [sflag:s4] =	dma.local [hbm:s3], $0xF7A  }
0x26: {  	[smem:$0x3F9F] =	sst s1;
	(tag) =	ssettag s2;
	_ =	strace s9  }
0x27: {  	s1 =	sld [smem:$0x3FAF]  }
0x28: {  	s2 =	sld [smem:$0x3FB0]  }
0x29: {  	s4 =	sld [smem:$0x3FB2]  }
0x2a: {  	p0 =	seq.s32 s5, $0x0;
	s5 =	sld [smem:$0x3FB3]  }
0x2b: {  	s6 =	sld [smem:$0x3FB4]  }
0x2c: {  	s7 =	sld [smem:$0x3FB5]  }
0x2d: {  	s3 =	simm.s32 $0x108;
	s8 =	sld [smem:$0x3FB6]  }
0x2e: {  	s3 =	simm.s32 @!p0 $0x1082;
	s9 =	sld [smem:$0x3FB7]  }
0x2f: {  	lr =	sadd.s32 s0, s3;
	s0 =	sld [smem:$0x3FAE]  }
0x30: {  	s3 =	sld [smem:$0x3FB1]  }
0x31: {  	[smem:$0x3FBA] =	sst s10  }
0x32: {  	s10 =	sld [smem:$0x3FB8];
	_ =	sdelay $0x3  }
0x33: {  	p0 =	seq.s32 s10, $0x1;
	s10 =	sld [smem:$0x3FBA];
	_ =	sdelay $0x3  }
0x34: {  	[smem:$0x3FBA] =	sst s10  }
0x35: {  	s10 =	sld [smem:$0x3FB9];
	_ =	sdelay $0x3  }
0x36: {  	p1 =	seq.s32 s10, $0x1;
	s10 =	sld [smem:$0x3FBA];
	_ =	sdelay $0x3  }
0x37: {  	[smem:$0x3FBA] =	sst s10  }
0x38: {  	s10 =	sld [smem:$0x3FBB]  }
0x39: {  	_ = 	snop;
	(pc) =	sbr.ind lr, $3  }
0x3a: {  	_ = 	snop  }
0x3b: {  	_ = 	snop  }
0x3c: {  	p2 =	seq.s32 s10, $0x1;
	s10 =	sld [smem:$0x3FBA]  }
0x3d: {  	_ =	shalt  }
0x3e: {  	_ =	shalt  }
0x3f: {  	_ =	shalt  }
0x40: {  	_ =	shalt  }
0x41: {  	_ =	shalt  }
0x42: {  	_ =	shalt  }
0x43: {  	_ =	shalt  }
0x44: {  	_ =	shalt  }
0x45: {  	_ =	shalt  }
0x46: {  	_ =	shalt  }
0x47: {  	_ =	shalt  }
0x48: {  	_ =	shalt  }
0x49: {  	_ =	shalt  }
0x4a: {  	_ =	shalt  }
0x4b: {  	_ =	shalt  }
0x4c: {  	_ =	shalt  }
0x4d: {  	_ =	shalt  }
0x4e: {  	_ =	shalt  }
0x4f: {  	_ =	shalt  }
0x50: {  	_ =	shalt  }
0x51: {  	_ =	shalt  }
0x52: {  	_ =	shalt  }
0x53: {  	_ =	shalt  }
0x54: {  	_ =	shalt  }
0x55: {  	_ =	shalt  }
0x56: {  	_ =	shalt  }
0x57: {  	_ =	shalt  }
0x58: {  	_ =	shalt  }
0x59: {  	_ =	shalt  }
0x5a: {  	_ =	shalt  }
0x5b: {  	_ =	shalt  }
0x5c: {  	_ =	shalt  }
0x5d: {  	_ =	shalt  }
0x5e: {  	_ =	shalt  }
0x5f: {  	_ =	shalt  }
0x60: {  	_ =	shalt  }
0x61: {  	_ =	shalt  }
0x62: {  	_ =	shalt  }
0x63: {  	_ =	shalt  }
0x64: {  	_ =	shalt  }
0x65: {  	_ =	shalt  }
0x66: {  	_ =	shalt  }
0x67: {  	_ =	shalt  }
0x68: {  	_ =	shalt  }
0x69: {  	_ =	shalt  }
0x6a: {  	_ =	shalt  }
0x6b: {  	_ =	shalt  }
0x6c: {  	_ =	shalt  }
0x6d: {  	_ =	shalt  }
0x6e: {  	_ =	shalt  }
0x6f: {  	_ =	shalt  }
0x70: {  	_ =	shalt  }
0x71: {  	_ =	shalt  }
0x72: {  	_ =	shalt  }
0x73: {  	_ =	shalt  }
0x74: {  	_ =	shalt  }
0x75: {  	_ =	shalt  }
0x76: {  	_ =	shalt  }
0x77: {  	_ =	shalt  }
0x78: {  	_ =	shalt  }
0x79: {  	_ =	shalt  }
0x7a: {  	_ =	shalt  }
0x7b: {  	_ =	shalt  }
0x7c: {  	_ =	shalt  }
0x7d: {  	_ =	shalt  }
0x7e: {  	_ =	shalt  }
0x7f: {  	_ =	shalt  }
0x80: {  	_ =	shalt  }
0x81: {  	_ =	shalt  }
0x82: {  	_ =	shalt  }
0x83: {  	_ =	shalt  }
0x84: {  	_ =	shalt  }
0x85: {  	_ =	shalt  }
0x86: {  	_ =	shalt  }
0x87: {  	_ =	shalt  }
.Lfunc_end0:
.L_simem_size_0:
called_computation.1_lowered:
.L_overlay_start_0:
0x88: {  	s2 =	sld [smem:$0x3FD9]  }
0x89: {  	s3 =	sld [smem:$0x3FFE];
	_ =	sdelay $0x1  }
0x8a: {  	s1 =	srdreg.scid  }
0x8b: {  	s0 =	sand.u32 $0x1, s1  }
0x8c: {  	s17 =	sshll.u32 s0, $0xA;
	s2 =	sadd.s32 s3, s2  }
0x8d: {  	s2 =	sadd.s32 s2, s17  }
0x8e: {  	[smem:$0x3FC6] =	sst s2  }
0x8f: {  	_ = 	snop  }
0x90: {  	s18 =	sld [smem:$0x3FD0];
	(tm) =	ssettm $0x1  }
0x91: {  	s19 =	sld [smem:$0x3FFB];
	_ =	sdelay $0x3  }
0x92: {  	_ =	strace s19  }
0x93: {  	s2 =	sld [smem:$0x3FFC];
	_ =	sdelay $0x3  }
0x94: {  	_ =	strace s2  }
0x95: {  	s2 =	sld [smem:$0x3FFD];
	_ =	sdelay $0x3  }
0x96: {  	_ =	strace s2  }
0x97: {  	_ =	strace $0x8FFFFFFF  }
0x98: {  	s20 =	sld [smem:$0x3FDB];
	_ =	sdelay $0x1  }
0x99: {  	s4 =	simm.s32 $_scs_section_size  }
0x9a: {  	s5 =	simm.s32 $_size__tile_overlayer_lowered;
	s6 =	simm.s32 $_tile_overlayer_lowered  }
0x9b: {  	s7 =	simm.s32 $0x1BFF;
	s21 =	sshll.u32 s6, $0x1;
	s4 =	sadd.s32 s4, s20  }
0x9c: {  	s22 =	simm.s32 $0x0;
	s5 =	sshll.u32 s5, $0x1;
	s6 =	sadd.s32 s21, s4  }
0x9d: {  	[timem:s22], [sflag:s7] =	dma.local [hbm:s6], s5  }
0x9e: {  	_ =	swait.ge [sflag:s7], s5  }
0x9f: {  	s5 =	ssub.s32 $0x0, s5;
	[sflag:s7] =	ssyncset.done $0x0  }
0xa0: {  	[sflag:s7] =	ssyncadd.s32 s5;
	_ =	sdelay $0x1  }
0xa1: {  	s23 =	simm.s32 $0x1B8B  }
0xa2: {  	_ =	swait.ge [sflag:s23], $0x1  }
0xa3: {  	[sflag:s23] =	ssyncset.done $0x0  }
0xa4: {  	[sflag:s23] =	ssyncadd.s32 $0xFFFFFFFF  }
0xa5: {  	s5 =	sld [smem:$0x0]  }
0xa6: {  	s6 =	sand.u32 $0xFFFFFFFE, s1  }
0xa7: {  	p0 =	sne.s32 s1, s6  }
0xa8: {  	s6 =	sshll.u32 @p0 s6, $0xE  }
0xa9: {  	s6 =	sadd.s32 @p0 $0x11B8D, s6;
	s7 =	sshll.u32 @p0 s5, $0x11  }
0xaa: {  	s6 =	sor.u32 @p0 s7, s6  }
0xab: {  	[sflag:s6] =	ssyncadd.remote.s32 @p0 $0x1;
	_ =	sdelay $0x1  }
0xac: {  	s6 =	simm.s32 @p0 $0x1B8D  }
0xad: {  	_ =	swait.eq @p0 [sflag:s6], $0x1  }
0xae: {  	[sflag:s6] =	ssyncadd.s32 @p0 $0xFFFFFFFF  }
0xaf: {  	s7 =	sshll.u32 @!p0 s1, $0xE  }
0xb0: {  	s7 =	sor.u32 @!p0 $0x4000, s7;
	s6 =	simm.s32 @!p0 $0x1B8D  }
0xb1: {  	s5 =	sshll.u32 @!p0 s5, $0x11;
	s7 =	sadd.s32 @!p0 $0x11B8D, s7;
	_ =	swait.eq @!p0 [sflag:s6], $0x1  }
0xb2: {  	s5 =	sor.u32 @!p0 s5, s7;
	[sflag:s6] =	ssyncadd.s32 @!p0 $0xFFFFFFFF  }
0xb3: {  	s25 =	simm.s32 $0x1B8E;
	s24 =	sld [smem:$0x3FFE];
	[sflag:s5] =	ssyncadd.remote.s32 @!p0 $0x1  }
0xb4: {  	s26 =	simm.s32 $execute0_lowered;
	[smem:$0x3FD2] =	sst s25  }
0xb5: {  	s6 =	sshll.u32 s26, $0x1;
	_ =	strace $0x80000049;
	[dreg:$0x1] =	wrdreg $0xFFFFFFFF  }
0xb6: {  	s28 =	simm.s32 $_size_execute0_lowered;
	s4 =	sadd.s32 s4, s6;
	[dreg:$0x0] =	wrdreg $0x0  }
0xb7: {  	s6 =	sshll.u32 s28, $0x1;
	[dreg:$0x2] =	wrdreg s4  }
0xb8: {  	[dreg:$0x3] =	wrdreg s6  }
0xb9: {  	[dreg:$0x4] =	wrdreg $0xC0  }
0xba: {  	_ =	task [dreg:s22], $0x5FFFF  }
0xbb: {  	[dreg:$0x1] =	wrdreg $0xFFFFFFFF  }
0xbc: {  	[dreg:$0x0] =	wrdreg $0x60  }
0xbd: {  	[dreg:$0x2] =	wrdreg s24  }
0xbe: {  	[dreg:$0x3] =	wrdreg s18  }
0xbf: {  	[dreg:$0x4] =	wrdreg $0xA  }
0xc0: {  	_ =	task.clear_ibuf [dreg:s22], $0x5FFFF;
	_ =	strace $0x90000049  }
0xc1: {  	s29 =	simm.s32 $0xA;
	_ =	strace $0x8000004B  }
0xc2: {  	_ =	swait.ge [sflag:s29], $0x1  }
0xc3: {  	[sflag:s29] =	ssyncadd.s32 $0xFFFFFFFF  }
0xc4: {  	_ =	strace $0x9000004B  }
0xc5: {  	_ =	sfence  }
0xc6: {  	s30 =	sld [smem:$0x0];
	_ =	sdelay $0x2  }
0xc7: {  	s31 =	sshll.u32 s1, $0xD;
	s1 =	sshrl.u32 s1, $0x2  }
0xc8: {  	s4 =	sand.u32 $0x4000, s31;
	s1 =	sadd.s32 s1, s30  }
0xc9: {  	s0 =	sor.u32 s4, s0;
	s1 =	sshll.u32 s1, $0x11  }
0xca: {  	s0 =	sor.u32 s1, s0  }
0xcb: {  	s0 =	sadd.s32 $0x8F2B, s0  }
0xcc: {  	[sflag:s0] =	ssyncadd.remote.s32 $0x1  }
0xcd: {  	_ =	sfence.sel $0xFFFF  }
0xce: {  	[dreg:$0x0] =	wrdreg $0xFFFFFFFF;
	(pc) =	sbr.abs _section_cstart, $3  }
0xcf: {  	[dreg:$0x1] =	wrdreg $0xFFFFFFFF  }
0xd0: {  	_ =	task.clear_ibuf [dreg:s22], $0x2FFFF;
	_ =	strace $0x9FFFFFFF  }
0xd1: {  	(tm) =	ssettm $0x7FFFFFFF  }
tec
execute0_lowered:
.L_overlay_start_1:
0x0: {  	(tag) =	ssettag $0x1  }
0x1: {  	s1 =	srdreg.scid;
	s3 =	rddreg [dreg:$0x0]  }
0x2: {  	s0 =	stileid.u32;
	s10 =	rddreg [dreg:$0x1];
	s13 =	simm.s32 $0x70  }
0x3: {  	s14 =	simm.s32 $0x2BC0;
	s15 =	simm.s32 $0x63C0;
	s16 =	simm.s32 $0x1  }
0x4: {  	s18 =	simm.s32 $0x9BC0;
	s19 =	simm.s32 $0x150;
	s20 =	simm.s32 $0xD3C0  }
0x5: {  	s21 =	simm.s32 $0x2;
	s22 =	simm.s32 $0x1C0;
	s23 =	simm.s32 $0x230  }
0x6: {  	s24 =	simm.s32 $0x3;
	s25 =	simm.s32 $0x2AE0;
	s8 =	smul.u32 $0x5780, s0  }
0x7: {  	s1 =	sand.u32 $0x1, s1;
	s2 =	sshll.u32 s0, $0x1;
	s11 =	smul.u32 $0x57800, s0  }
0x8: {  	s26 =	simm.s32 $0x2B50;
	s4 =	sor.u32 s1, s2;
	s9 =	smul.u32 $0x2BC0, s1  }
0x9: {  	s2 =	simm.s32 $0x0;
	s6 =	ssub.s32 $0x2, s1;
	s1 =	smul.u32 $0x2BC00, s1  }
0xa: {  	s28 =	simm.s32 $0x0;
	s5 =	smul.u32 $0x2BC0, s4;
	[smem:$0x7FF] =	sst s2  }
0xb: {  	s7 =	smul.u32 $0x2BC00, s4;
	s30 =	sshrl.u32 s6, $0x1;
	s11 =	sadd.s32 s11, s10  }
0xc: {  	_ =	strace $0x8000004A;
	s6 =	ssub.s32 s6, s30;
	s9 =	sadd.s32 s9, s8  }
0xd: {  	s1 =	sadd.s32 s1, s11;
	s5 =	sshrl.u32 s5, $0x3;
	s12 =	sshll.u32 s9, $0x4  }
0xe: {  	s5 =	sadd.s32 s5, s3;
	s3 =	sadd.s32 $0xD3C00, s3;
	s31 =	sadd.s32 s10, s12  }
0xf: {  	s12 =	simm.s32 $0x4;
	s4 =	sadd.s32 $0xC00, s5;
	s5 =	smax.u32 s6, $0x1  }
0x10: {  	s6 =	sadd.s32 s10, s7;
	s10 =	sadd.s32 $0x1C00, s1;
	s1 =	sadd.s32 $0x2A00, s31  }
0x11: {  	s7 =	sadd.s32 $0xE00, s6;
	s8 =	sadd.s32 $0x2A000, s6;
	s9 =	sadd.s32 $0x2AE00, s6  }
.LBB2_1:
0x12: {  	[tilespmem:s2], [sflag:$0x4] =	stream.linear.gather [hbm4b:s4+s2], $0x2BC0, $0x38;
	[tilespmem:$0x10BC0] =	vst v63  }
0x13: {  	_ =	swait.ge [sflag:s12], $0x2BC0  }
0x14: {  	[sflag:s12] =	ssyncset.done $0x0  }
0x15: {  	[sflag:s12] =	ssyncadd.s32 $0xFFFFD440  }
0x16: {  	[tilespmem:s14], [sflag:$0x1] =	stream.indirect.gather [hbm4b:s3+s13], $0x80, s2, s13, $0xb8;
	[tilespmem:$0x10BC0] =	vst v63  }
0x17: {  	_ = 	snop  }
0x18: {  	[tilespmem:s15], [sflag:$0x1] =	stream.indirect.gather [hbm4b:s3+s13], $0x80, s13, s13, $0xb8;
	[tilespmem:$0x10BC0] =	vst v63  }
0x19: {  	_ =	swait.ge [sflag:s16], $0x7000  }
0x1a: {  	[sflag:s16] =	ssyncset.done $0x0  }
0x1b: {  	s0 =	simm.s32 $0xE0;
	[sflag:s16] =	ssyncadd.s32 $0xFFFF9000  }
0x1c: {  	[tilespmem:s18], [sflag:$0x1] =	stream.indirect.gather [hbm4b:s3+s13], $0x80, s0, s13, $0xb8;
	[tilespmem:$0x10BC0] =	vst v63  }
0x1d: {  	_ = 	snop  }
0x1e: {  	[tilespmem:s20], [sflag:$0x1] =	stream.indirect.gather [hbm4b:s3+s13], $0x80, s19, s13, $0xb8;
	[tilespmem:$0x10BC0] =	vst v63  }
0x1f: {  	_ = 	snop  }
0x20: {  	[hbm4b:s6+s2] =	stream.linear.scatter [tilespmem:s14], [sflag:$0x2], $0x7000, $0x38;
	[tilespmem:$0x10BC0] =	vst v63  }
0x21: {  	_ =	swait.ge [sflag:s16], $0x7000  }
0x22: {  	[sflag:s16] =	ssyncset.done $0x0  }
0x23: {  	[sflag:s16] =	ssyncadd.s32 $0xFFFF9000  }
0x24: {  	_ =	swait.ge [sflag:s21], $0x7000  }
0x25: {  	[sflag:s21] =	ssyncset.done $0x0  }
0x26: {  	[sflag:s21] =	ssyncadd.s32 $0xFFFF9000  }
0x27: {  	[tilespmem:s14], [sflag:$0x1] =	stream.indirect.gather [hbm4b:s3+s13], $0x80, s22, s13, $0xb8;
	[tilespmem:$0x10BC0] =	vst v63  }
0x28: {  	_ = 	snop  }
0x29: {  	[tilespmem:s15], [sflag:$0x1] =	stream.indirect.gather [hbm4b:s3+s13], $0x80, s23, s13, $0xb8;
	[tilespmem:$0x10BC0] =	vst v63  }
0x2a: {  	_ = 	snop  }
0x2b: {  	[hbm4b:s7+s2] =	stream.linear.scatter [tilespmem:s18], [sflag:$0x3], $0x7000, $0x38;
	[tilespmem:$0x10BC0] =	vst v63  }
0x2c: {  	_ =	swait.ge [sflag:s16], $0x7000  }
0x2d: {  	[sflag:s16] =	ssyncset.done $0x0  }
0x2e: {  	[sflag:s16] =	ssyncadd.s32 $0xFFFF9000  }
0x2f: {  	_ =	swait.ge [sflag:s24], $0x7000  }
0x30: {  	[sflag:s24] =	ssyncset.done $0x0  }
0x31: {  	s11 =	simm.s32 $0x2A0;
	[sflag:s24] =	ssyncadd.s32 $0xFFFF9000  }
0x32: {  	[tilespmem:s18], [sflag:$0x1] =	stream.indirect.gather [hbm4b:s3+s13], $0x80, s11, s13, $0xb8;
	[tilespmem:$0x10BC0] =	vst v63  }
0x33: {  	s17 =	simm.s32 $0x310  }
0x34: {  	[tilespmem:s20], [sflag:$0x1] =	stream.indirect.gather [hbm4b:s3+s13], $0x80, s17, s13, $0xb8;
	[tilespmem:$0x10BC0] =	vst v63  }
0x35: {  	_ = 	snop  }
0x36: {  	[hbm4b:s10+s2] =	stream.linear.scatter [tilespmem:s14], [sflag:$0x2], $0x7000, $0x38;
	[tilespmem:$0x10BC0] =	vst v63  }
0x37: {  	_ =	swait.ge [sflag:s16], $0x7000  }
0x38: {  	[sflag:s16] =	ssyncset.done $0x0  }
0x39: {  	[sflag:s16] =	ssyncadd.s32 $0xFFFF9000  }
0x3a: {  	_ =	swait.ge [sflag:s21], $0x7000  }
0x3b: {  	s29 =	simm.s32 $0x700;
	[sflag:s21] =	ssyncset.done $0x0  }
0x3c: {  	s30 =	sadd.s32 $0x1C00, s10;
	s0 =	simm.s32 $0x380;
	[sflag:s21] =	ssyncadd.s32 $0xFFFF9000  }
0x3d: {  	[tilespmem:s14], [sflag:$0x1] =	stream.indirect.gather [hbm4b:s3+s13], $0x80, s0, s13, $0xb8;
	[tilespmem:$0x10BC0] =	vst v63  }
0x3e: {  	s31 =	sadd.s32 $0x1C00, s1;
	s11 =	smov.u32 s1;
	s17 =	simm.s32 $0x3F0  }
0x3f: {  	[tilespmem:s15], [sflag:$0x1] =	stream.indirect.gather [hbm4b:s3+s13], $0x80, s17, s13, $0xb8;
	[tilespmem:$0x10BC0] =	vst v63  }
.LBB2_2:
0x40: {  	[hbm4b:s11+s2] =	stream.linear.scatter [tilespmem:s18], [sflag:$0x3], $0x7000, $0x38;
	[tilespmem:$0x10BC0] =	vst v63  }
0x41: {  	s0 =	smov.u32 s29;
	s11 =	smov.u32 s31  }
0x42: {  	p0 =	sne.s32 s29, $0x9A00;
	s29 =	sadd.s32 $0x700, s29;
	_ =	swait.ge [sflag:s16], $0x7000  }
0x43: {  	[sflag:s16] =	ssyncset.done $0x0  }
0x44: {  	[sflag:s16] =	ssyncadd.s32 $0xFFFF9000  }
0x45: {  	_ =	swait.ge [sflag:s24], $0x7000  }
0x46: {  	s0 =	sshra.s32 s0, $0x2;
	[sflag:s24] =	ssyncset.done $0x0  }
0x47: {  	s17 =	sadd.s32 $0x2A0, s0;
	[sflag:s24] =	ssyncadd.s32 $0xFFFF9000  }
0x48: {  	[tilespmem:s18], [sflag:$0x1] =	stream.indirect.gather [hbm4b:s3+s13], $0x80, s17, s13, $0xb8;
	[tilespmem:$0x10BC0] =	vst v63  }
0x49: {  	s17 =	sadd.s32 $0x310, s0  }
0x4a: {  	[tilespmem:s20], [sflag:$0x1] =	stream.indirect.gather [hbm4b:s3+s13], $0x80, s17, s13, $0xb8;
	[tilespmem:$0x10BC0] =	vst v63  }
0x4b: {  	_ = 	snop  }
0x4c: {  	[hbm4b:s30+s2] =	stream.linear.scatter [tilespmem:s14], [sflag:$0x2], $0x7000, $0x38;
	[tilespmem:$0x10BC0] =	vst v63  }
0x4d: {  	_ =	swait.ge [sflag:s16], $0x7000  }
0x4e: {  	[sflag:s16] =	ssyncset.done $0x0  }
0x4f: {  	[sflag:s16] =	ssyncadd.s32 $0xFFFF9000  }
0x50: {  	_ =	swait.ge [sflag:s21], $0x7000  }
0x51: {  	[sflag:s21] =	ssyncset.done $0x0  }
.Ltmp0:
0x52: {  	s17 =	sadd.s32 $0x380, s0;
	[sflag:s21] =	ssyncadd.s32 $0xFFFF9000;
	(pc) =	sbr.rel @p0 .LBB2_2-.Ltmp0, $4  }
0x53: {  	[tilespmem:s14], [sflag:$0x1] =	stream.indirect.gather [hbm4b:s3+s13], $0x80, s17, s13, $0xb8;
	[tilespmem:$0x10BC0] =	vst v63  }
0x54: {  	s0 =	sadd.s32 $0x3F0, s0  }
0x55: {  	[tilespmem:s15], [sflag:$0x1] =	stream.indirect.gather [hbm4b:s3+s13], $0x80, s0, s13, $0xb8;
	[tilespmem:$0x10BC0] =	vst v63  }
0x56: {  	s31 =	sadd.s32 $0x1C00, s31;
	s30 =	sadd.s32 $0x1C00, s30  }
0x57: {  	[hbm4b:s11+s2] =	stream.linear.scatter [tilespmem:s18], [sflag:$0x3], $0x7000, $0x38;
	[tilespmem:$0x10BC0] =	vst v63  }
0x58: {  	_ =	swait.ge [sflag:s16], $0x7000  }
0x59: {  	[sflag:s16] =	ssyncset.done $0x0  }
0x5a: {  	[sflag:s16] =	ssyncadd.s32 $0xFFFF9000  }
0x5b: {  	_ =	swait.ge [sflag:s24], $0x7000  }
0x5c: {  	[sflag:s24] =	ssyncset.done $0x0  }
0x5d: {  	[sflag:s24] =	ssyncadd.s32 $0xFFFF9000  }
0x5e: {  	[tilespmem:s18], [sflag:$0x1] =	stream.indirect.gather [hbm4b:s3+s13], $0x80, s25, s13, $0xb8;
	[tilespmem:$0x10BC0] =	vst v63  }
0x5f: {  	_ = 	snop  }
0x60: {  	[tilespmem:s20], [sflag:$0x1] =	stream.indirect.gather [hbm4b:s3+s13], $0x80, s26, s13, $0xb8;
	[tilespmem:$0x10BC0] =	vst v63  }
0x61: {  	_ = 	snop  }
0x62: {  	[hbm4b:s8+s2] =	stream.linear.scatter [tilespmem:s14], [sflag:$0x2], $0x7000, $0x38;
	[tilespmem:$0x10BC0] =	vst v63  }
0x63: {  	_ =	swait.ge [sflag:s16], $0x7000  }
0x64: {  	[sflag:s16] =	ssyncset.done $0x0  }
0x65: {  	[sflag:s16] =	ssyncadd.s32 $0xFFFF9000  }
0x66: {  	s28 =	sadd.s32 $0x1, s28;
	_ =	swait.ge [sflag:s21], $0x7000  }
0x67: {  	p0 =	sne.s32 s28, s5;
	[sflag:s21] =	ssyncset.done $0x0  }
.Ltmp1:
0x68: {  	[sflag:s21] =	ssyncadd.s32 $0xFFFF9000;
	(pc) =	sbr.rel @p0 .LBB2_1-.Ltmp1, $4  }
0x69: {  	[hbm4b:s9+s2] =	stream.linear.scatter [tilespmem:s18], [sflag:$0x3], $0x7000, $0x38;
	[tilespmem:$0x10BC0] =	vst v63  }
0x6a: {  	_ =	swait.ge [sflag:s24], $0x7000  }
0x6b: {  	[sflag:s24] =	ssyncset.done $0x0  }
0x6c: {  	[sflag:s24] =	ssyncadd.s32 $0xFFFF9000  }
0x6d: {  	_ =	sfence.sel $0x180000  }
0x6e: {  	[bflag:$0x0] =	sbarrier.arrive $0xFFFF  }
0x6f: {  	_ =	strace $0x9000004A  }
0x70: {  	s0 =	stileid.u32;
	[bflag:$0x2] =	sbarrier.arrive $0xFFFF  }
0x71: {  	p0 =	sne.s32 s0, $0x0;
	s0 =	rddreg [dreg:$0x2]  }
0x72: {  	s0 =	sadd.s32 @!p0 $0x100000, s0  }
0x73: {  	[sflag:s0] =	ssyncadd.tile.s32 @!p0 $0x1;
	_ =	shalt  }
.Lfunc_end2:
_tile_overlayer_lowered:
.L_overlay_start_2:
0x74: {  	(tag) =	ssettag $0x2  }
0x75: {  	s0 =	rddreg [dreg:$0x0];
	s2 =	stileid.u32  }
0x76: {  	s1 =	rddreg [dreg:$0x1];
	p0 =	sne.s32 s2, $0x0  }
0x77: {  	s3 =	rddreg [dreg:$0x2];
	[bflag:$0x3] =	sbarrier.arrive $0xFFFF;
	s2 =	simm.s32 @!p0 $0x1C04  }
0x78: {  	[timem:s3], [sflag:s2] =	dma.local @!p0 [hbm:s0], s1  }
0x79: {  	s0 =	simm.s32 @!p0 $0x4  }
0x7a: {  	_ =	swait.ge @!p0 [sflag:s0], s1  }
0x7b: {  	s1 =	ssub.s32 @!p0 $0x0, s1;
	[sflag:s0] =	ssyncset.done @!p0 $0x0  }
0x7c: {  	[sflag:s0] =	ssyncadd.s32 @!p0 s1  }
0x7d: {  	[bflag:$0x3] =	sbarrier.arrive $0xFFFF  }
0x7e: {  	_ =	shalt  }

// kernel: kernel.7.cloned.1.call-start
scs
__scs_entry_jumppad:
0x0: {  	(pc) =	sbr.rel $0x88, $3  }
0x1: {  	(tag) =	ssettag $0x0;
	lr =	simm.s32 $0x1  }
0x2: {  	[smem:$0x3F9F] =	sst lr;
	_ =	strace $0xD0000000  }
0x3: {  	_ = 	snop  }
0x4: {  	_ = 	snop  }
0x5: {  	_ = 	snop  }
0x6: {  	_ = 	snop  }
0x7: {  	_ = 	snop  }
__scs_overlays_trampoline_lowered:
0x8: {  	[smem:$0x3FAE] =	sst s0  }
0x9: {  	[smem:$0x3FAF] =	sst s1  }
0xa: {  	[smem:$0x3FB0] =	sst s2  }
0xb: {  	[smem:$0x3FB1] =	sst s3  }
0xc: {  	[smem:$0x3FB2] =	sst s4  }
0xd: {  	[smem:$0x3FB3] =	sst s5  }
0xe: {  	[smem:$0x3FB4] =	sst s6  }
0xf: {  	[smem:$0x3FB5] =	sst s7  }
0x10: {  	[smem:$0x3FB6] =	sst s8  }
0x11: {  	[smem:$0x3FB7] =	sst s9;
	s0 =	simm.s32 @!p0 $0x0  }
0x12: {  	s1 =	sld [smem:$0x3F9D];
	s0 =	simm.s32 @p0 $0x1  }
0x13: {  	[smem:$0x3FB8] =	sst s0;
	s0 =	simm.s32 @!p1 $0x0  }
0x14: {  	s2 =	sld [smem:$0x3F9C];
	s0 =	simm.s32 @p1 $0x1  }
0x15: {  	[smem:$0x3FB9] =	sst s0;
	s0 =	simm.s32 @!p2 $0x0  }
0x16: {  	s3 =	sld [smem:$0x3FDB];
	s0 =	simm.s32 @p2 $0x1  }
0x17: {  	s4 =	simm.s32 $0x1BF5;
	[smem:$0x3FBB] =	sst s0  }
0x18: {  	s0 =	sld [smem:$0x3F9E];
	_ =	swait.ge [sflag:s4], $0x0  }
0x19: {  	s7 =	sld [smem:$0x3F9F]  }
0x1a: {  	s8 =	sadd.s32 $0xFFFFE003, lr  }
0x1b: {  	s9 =	sadd.s32 $0xFFFFFEF7, lr;
	s5 =	simm.s32 $0xFFFFFFFF;
	p2 =	slt.u32 s8, $0xFFFFF086  }
0x1c: {  	p1 =	slt.u32 s9, $0xF7A;
	s5 =	simm.s32 @!p2 $0x0  }
0x1d: {  	s5 =	simm.s32 @p1 $0x1;
	p0 =	seq.s32 s7, s2  }
0x1e: {  	s7 =	smul.u32 @!p0 $0xF7A, s2;
	p2 =	seq.s32 @!p0 s5, $0x0  }
0x1f: {  	s9 =	smul.u32 $0xF7A, s1;
	s8 =	simm.s32 @!p0 $0x1BF5;
	p2 =	por !p2, p0  }
0x20: {  	[sflag:s8] =	ssyncset.s32 @!p0 $0xFFFFF086;
	s6 =	sadd.s32 @!p0 s3, s7;
	s7 =	simm.s32 @!p0 $0x108  }
0x21: {  	s3 =	sadd.s32 s3, s9;
	s6 =	sadd.s32 @!p0 $0x88, s6;
	s7 =	simm.s32 @p2 $0x1082  }
0x22: {  	[simem:s7], [sflag:s8] =	dma.local @!p0 [hbm:s6], $0xF7A  }
0x23: {  	s9 =	sor.u32 $0xD0000000, s2;
	s6 =	simm.s32 $0x108;
	_ =	swait.ge @!p0 [sflag:s8], $0x0  }
0x24: {  	s3 =	sadd.s32 $0x88, s3;
	s6 =	simm.s32 @!p1 $0x1082;
	[sflag:s4] =	ssyncset.s32 $0xFFFFF086  }
0x25: {  	[simem:s6], [sflag:s4] =	dma.local [hbm:s3], $0xF7A  }
0x26: {  	[smem:$0x3F9F] =	sst s1;
	(tag) =	ssettag s2;
	_ =	strace s9  }
0x27: {  	s1 =	sld [smem:$0x3FAF]  }
0x28: {  	s2 =	sld [smem:$0x3FB0]  }
0x29: {  	s4 =	sld [smem:$0x3FB2]  }
0x2a: {  	p0 =	seq.s32 s5, $0x0;
	s5 =	sld [smem:$0x3FB3]  }
0x2b: {  	s6 =	sld [smem:$0x3FB4]  }
0x2c: {  	s7 =	sld [smem:$0x3FB5]  }
0x2d: {  	s3 =	simm.s32 $0x108;
	s8 =	sld [smem:$0x3FB6]  }
0x2e: {  	s3 =	simm.s32 @!p0 $0x1082;
	s9 =	sld [smem:$0x3FB7]  }
0x2f: {  	lr =	sadd.s32 s0, s3;
	s0 =	sld [smem:$0x3FAE]  }
0x30: {  	s3 =	sld [smem:$0x3FB1]  }
0x31: {  	[smem:$0x3FBA] =	sst s10  }
0x32: {  	s10 =	sld [smem:$0x3FB8];
	_ =	sdelay $0x3  }
0x33: {  	p0 =	seq.s32 s10, $0x1;
	s10 =	sld [smem:$0x3FBA];
	_ =	sdelay $0x3  }
0x34: {  	[smem:$0x3FBA] =	sst s10  }
0x35: {  	s10 =	sld [smem:$0x3FB9];
	_ =	sdelay $0x3  }
0x36: {  	p1 =	seq.s32 s10, $0x1;
	s10 =	sld [smem:$0x3FBA];
	_ =	sdelay $0x3  }
0x37: {  	[smem:$0x3FBA] =	sst s10  }
0x38: {  	s10 =	sld [smem:$0x3FBB]  }
0x39: {  	_ = 	snop;
	(pc) =	sbr.ind lr, $3  }
0x3a: {  	_ = 	snop  }
0x3b: {  	_ = 	snop  }
0x3c: {  	p2 =	seq.s32 s10, $0x1;
	s10 =	sld [smem:$0x3FBA]  }
0x3d: {  	_ =	shalt  }
0x3e: {  	_ =	shalt  }
0x3f: {  	_ =	shalt  }
0x40: {  	_ =	shalt  }
0x41: {  	_ =	shalt  }
0x42: {  	_ =	shalt  }
0x43: {  	_ =	shalt  }
0x44: {  	_ =	shalt  }
0x45: {  	_ =	shalt  }
0x46: {  	_ =	shalt  }
0x47: {  	_ =	shalt  }
0x48: {  	_ =	shalt  }
0x49: {  	_ =	shalt  }
0x4a: {  	_ =	shalt  }
0x4b: {  	_ =	shalt  }
0x4c: {  	_ =	shalt  }
0x4d: {  	_ =	shalt  }
0x4e: {  	_ =	shalt  }
0x4f: {  	_ =	shalt  }
0x50: {  	_ =	shalt  }
0x51: {  	_ =	shalt  }
0x52: {  	_ =	shalt  }
0x53: {  	_ =	shalt  }
0x54: {  	_ =	shalt  }
0x55: {  	_ =	shalt  }
0x56: {  	_ =	shalt  }
0x57: {  	_ =	shalt  }
0x58: {  	_ =	shalt  }
0x59: {  	_ =	shalt  }
0x5a: {  	_ =	shalt  }
0x5b: {  	_ =	shalt  }
0x5c: {  	_ =	shalt  }
0x5d: {  	_ =	shalt  }
0x5e: {  	_ =	shalt  }
0x5f: {  	_ =	shalt  }
0x60: {  	_ =	shalt  }
0x61: {  	_ =	shalt  }
0x62: {  	_ =	shalt  }
0x63: {  	_ =	shalt  }
0x64: {  	_ =	shalt  }
0x65: {  	_ =	shalt  }
0x66: {  	_ =	shalt  }
0x67: {  	_ =	shalt  }
0x68: {  	_ =	shalt  }
0x69: {  	_ =	shalt  }
0x6a: {  	_ =	shalt  }
0x6b: {  	_ =	shalt  }
0x6c: {  	_ =	shalt  }
0x6d: {  	_ =	shalt  }
0x6e: {  	_ =	shalt  }
0x6f: {  	_ =	shalt  }
0x70: {  	_ =	shalt  }
0x71: {  	_ =	shalt  }
0x72: {  	_ =	shalt  }
0x73: {  	_ =	shalt  }
0x74: {  	_ =	shalt  }
0x75: {  	_ =	shalt  }
0x76: {  	_ =	shalt  }
0x77: {  	_ =	shalt  }
0x78: {  	_ =	shalt  }
0x79: {  	_ =	shalt  }
0x7a: {  	_ =	shalt  }
0x7b: {  	_ =	shalt  }
0x7c: {  	_ =	shalt  }
0x7d: {  	_ =	shalt  }
0x7e: {  	_ =	shalt  }
0x7f: {  	_ =	shalt  }
0x80: {  	_ =	shalt  }
0x81: {  	_ =	shalt  }
0x82: {  	_ =	shalt  }
0x83: {  	_ =	shalt  }
0x84: {  	_ =	shalt  }
0x85: {  	_ =	shalt  }
0x86: {  	_ =	shalt  }
0x87: {  	_ =	shalt  }
.Lfunc_end0:
.L_simem_size_0:
called_computation_lowered:
.L_overlay_start_0:
0x88: {  	s2 =	sld [smem:$0x3FD9]  }
0x89: {  	s3 =	sld [smem:$0x3FFE];
	_ =	sdelay $0x1  }
0x8a: {  	s1 =	srdreg.scid  }
0x8b: {  	s0 =	sand.u32 $0x1, s1  }
0x8c: {  	s16 =	sshll.u32 s0, $0xA;
	s2 =	sadd.s32 s3, s2  }
0x8d: {  	s2 =	sadd.s32 s2, s16  }
0x8e: {  	[smem:$0x3FC6] =	sst s2  }
0x8f: {  	_ = 	snop  }
0x90: {  	(tm) =	ssettm $0x1  }
0x91: {  	s17 =	sld [smem:$0x3FFB];
	_ =	sdelay $0x3  }
0x92: {  	_ =	strace s17  }
0x93: {  	s2 =	sld [smem:$0x3FFC];
	_ =	sdelay $0x3  }
0x94: {  	_ =	strace s2  }
0x95: {  	s2 =	sld [smem:$0x3FFD];
	_ =	sdelay $0x3  }
0x96: {  	_ =	strace s2  }
0x97: {  	_ =	strace $0x8FFFFFFF  }
0x98: {  	s18 =	sld [smem:$0x3FDB];
	_ =	sdelay $0x1  }
0x99: {  	s19 =	simm.s32 $_scs_section_size  }
0x9a: {  	s4 =	simm.s32 $_size__tile_overlayer_lowered;
	s5 =	simm.s32 $_tile_overlayer_lowered  }
0x9b: {  	s22 =	simm.s32 $0x1BFF;
	s21 =	sshll.u32 s5, $0x1;
	s2 =	sadd.s32 s19, s18  }
0x9c: {  	s6 =	simm.s32 $0x0;
	s20 =	sshll.u32 s4, $0x1;
	s4 =	sadd.s32 s21, s2  }
0x9d: {  	[timem:s6], [sflag:s22] =	dma.local [hbm:s4], s20  }
0x9e: {  	_ =	swait.ge [sflag:s22], s20  }
0x9f: {  	s3 =	ssub.s32 $0x0, s20;
	[sflag:s22] =	ssyncset.done $0x0  }
0xa0: {  	[sflag:s22] =	ssyncadd.s32 s3;
	_ =	sdelay $0x1  }
0xa1: {  	s23 =	simm.s32 $0x1B8B  }
0xa2: {  	_ =	swait.ge [sflag:s23], $0x1  }
0xa3: {  	[sflag:s23] =	ssyncset.done $0x0  }
0xa4: {  	s25 =	simm.s32 $0x1B8E;
	s24 =	sld [smem:$0x3FFE];
	[sflag:s23] =	ssyncadd.s32 $0xFFFFFFFF  }
0xa5: {  	s26 =	simm.s32 $execute0_lowered;
	[smem:$0x3FD2] =	sst s25  }
0xa6: {  	s4 =	sshll.u32 s26, $0x1;
	_ =	strace $0x80000046;
	[dreg:$0x1] =	wrdreg $0xFFFFFFFF  }
0xa7: {  	s28 =	simm.s32 $_size_execute0_lowered;
	s2 =	sadd.s32 s2, s4;
	[dreg:$0x0] =	wrdreg $0x0  }
0xa8: {  	s4 =	sshll.u32 s28, $0x1;
	[dreg:$0x2] =	wrdreg s2  }
0xa9: {  	[dreg:$0x3] =	wrdreg s4  }
0xaa: {  	[dreg:$0x4] =	wrdreg $0xC0  }
0xab: {  	_ =	task [dreg:s6], $0x5FFFF  }
0xac: {  	[dreg:$0x1] =	wrdreg $0xFFFFFFFF  }
0xad: {  	[dreg:$0x0] =	wrdreg $0x60  }
0xae: {  	[dreg:$0x2] =	wrdreg s24  }
0xaf: {  	[dreg:$0x3] =	wrdreg $0x9  }
0xb0: {  	_ =	task.clear_ibuf [dreg:s6], $0x4FFFF;
	_ =	strace $0x90000046  }
0xb1: {  	s29 =	simm.s32 $0x9;
	_ =	strace $0x80000048  }
0xb2: {  	_ =	swait.ge [sflag:s29], $0x1  }
0xb3: {  	[sflag:s29] =	ssyncadd.s32 $0xFFFFFFFF  }
0xb4: {  	_ =	strace $0x90000048  }
0xb5: {  	_ =	sfence  }
0xb6: {  	s30 =	sld [smem:$0x0];
	_ =	sdelay $0x2  }
0xb7: {  	s31 =	sshll.u32 s1, $0xD;
	s1 =	sshrl.u32 s1, $0x2  }
0xb8: {  	s3 =	sand.u32 $0x4000, s31;
	s1 =	sadd.s32 s1, s30  }
0xb9: {  	s0 =	sor.u32 s3, s0;
	s1 =	sshll.u32 s1, $0x11  }
0xba: {  	s0 =	sor.u32 s1, s0  }
0xbb: {  	s0 =	sadd.s32 $0x8F2B, s0  }
0xbc: {  	[sflag:s0] =	ssyncadd.remote.s32 $0x1  }
0xbd: {  	_ =	sfence.sel $0xFFFF  }
0xbe: {  	[dreg:$0x0] =	wrdreg $0xFFFFFFFF;
	(pc) =	sbr.abs _section_cstart, $3  }
0xbf: {  	[dreg:$0x1] =	wrdreg $0xFFFFFFFF  }
0xc0: {  	_ =	task.clear_ibuf [dreg:s6], $0x2FFFF;
	_ =	strace $0x9FFFFFFF  }
0xc1: {  	(tm) =	ssettm $0x7FFFFFFF  }
tec
execute0_lowered:
.L_overlay_start_1:
0x0: {  	(tag) =	ssettag $0x1  }
0x1: {  	s1 =	srdreg.scid;
	s0 =	stileid.u32  }
0x2: {  	s5 =	rddreg [dreg:$0x0];
	s13 =	simm.s32 $0x70;
	s14 =	simm.s32 $0x2BC0  }
0x3: {  	s15 =	simm.s32 $0x63C0;
	s16 =	simm.s32 $0x1;
	s18 =	simm.s32 $0x9BC0  }
0x4: {  	s19 =	simm.s32 $0x150;
	s20 =	simm.s32 $0xD3C0;
	s21 =	simm.s32 $0x2  }
0x5: {  	s22 =	simm.s32 $0x1C0;
	s23 =	simm.s32 $0x230;
	s9 =	smul.u32 $0x5780, s0  }
0x6: {  	s24 =	simm.s32 $0x3;
	s1 =	sand.u32 $0x1, s1;
	s12 =	smul.u32 $0x57800, s0  }
0x7: {  	s28 =	simm.s32 $0x0;
	s2 =	sshll.u32 s0, $0x1;
	s11 =	smul.u32 $0x2BC0, s1  }
0x8: {  	s4 =	sor.u32 s1, s2;
	s7 =	ssub.s32 $0x2, s1;
	s1 =	smul.u32 $0x2BC00, s1  }
0x9: {  	s10 =	sadd.s32 $0x5CA800, s5;
	s2 =	simm.s32 $0x0;
	s3 =	smul.u32 $0x2BC0, s4  }
0xa: {  	[smem:$0x7FF] =	sst s2;
	s8 =	smul.u32 $0x2BC00, s4;
	s25 =	sshrl.u32 s7, $0x1  }
0xb: {  	s29 =	sadd.s32 s12, s10;
	s12 =	simm.s32 $0x4;
	_ =	strace $0x80000047  }
0xc: {  	s26 =	ssub.s32 s7, s25;
	s9 =	sadd.s32 s11, s9;
	s1 =	sadd.s32 s1, s29  }
0xd: {  	s25 =	simm.s32 $0x2AE0;
	s3 =	sshrl.u32 s3, $0x3;
	s30 =	sshll.u32 s9, $0x4  }
0xe: {  	s6 =	sadd.s32 s3, s5;
	s3 =	sadd.s32 $0xD3C00, s5;
	s5 =	smax.u32 s26, $0x1  }
0xf: {  	s31 =	sadd.s32 s10, s30;
	s26 =	simm.s32 $0x2B50;
	s4 =	sadd.s32 $0xC8C00, s6  }
0x10: {  	s6 =	sadd.s32 s10, s8;
	s10 =	sadd.s32 $0x1C00, s1;
	s1 =	sadd.s32 $0x2A00, s31  }
0x11: {  	s7 =	sadd.s32 $0xE00, s6;
	s8 =	sadd.s32 $0x2A000, s6;
	s9 =	sadd.s32 $0x2AE00, s6  }
.LBB2_1:
0x12: {  	[tilespmem:s2], [sflag:$0x4] =	stream.linear.gather [hbm4b:s4+s2], $0x2BC0, $0x38;
	[tilespmem:$0x10BC0] =	vst v63  }
0x13: {  	_ =	swait.ge [sflag:s12], $0x2BC0  }
0x14: {  	[sflag:s12] =	ssyncset.done $0x0  }
0x15: {  	[sflag:s12] =	ssyncadd.s32 $0xFFFFD440  }
0x16: {  	[tilespmem:s14], [sflag:$0x1] =	stream.indirect.gather [hbm4b:s3+s13], $0x80, s2, s13, $0xb8;
	[tilespmem:$0x10BC0] =	vst v63  }
0x17: {  	_ = 	snop  }
0x18: {  	[tilespmem:s15], [sflag:$0x1] =	stream.indirect.gather [hbm4b:s3+s13], $0x80, s13, s13, $0xb8;
	[tilespmem:$0x10BC0] =	vst v63  }
0x19: {  	_ =	swait.ge [sflag:s16], $0x7000  }
0x1a: {  	[sflag:s16] =	ssyncset.done $0x0  }
0x1b: {  	s0 =	simm.s32 $0xE0;
	[sflag:s16] =	ssyncadd.s32 $0xFFFF9000  }
0x1c: {  	[tilespmem:s18], [sflag:$0x1] =	stream.indirect.gather [hbm4b:s3+s13], $0x80, s0, s13, $0xb8;
	[tilespmem:$0x10BC0] =	vst v63  }
0x1d: {  	_ = 	snop  }
0x1e: {  	[tilespmem:s20], [sflag:$0x1] =	stream.indirect.gather [hbm4b:s3+s13], $0x80, s19, s13, $0xb8;
	[tilespmem:$0x10BC0] =	vst v63  }
0x1f: {  	_ = 	snop  }
0x20: {  	[hbm4b:s6+s2] =	stream.linear.scatter [tilespmem:s14], [sflag:$0x2], $0x7000, $0x38;
	[tilespmem:$0x10BC0] =	vst v63  }
0x21: {  	_ =	swait.ge [sflag:s16], $0x7000  }
0x22: {  	[sflag:s16] =	ssyncset.done $0x0  }
0x23: {  	[sflag:s16] =	ssyncadd.s32 $0xFFFF9000  }
0x24: {  	_ =	swait.ge [sflag:s21], $0x7000  }
0x25: {  	[sflag:s21] =	ssyncset.done $0x0  }
0x26: {  	[sflag:s21] =	ssyncadd.s32 $0xFFFF9000  }
0x27: {  	[tilespmem:s14], [sflag:$0x1] =	stream.indirect.gather [hbm4b:s3+s13], $0x80, s22, s13, $0xb8;
	[tilespmem:$0x10BC0] =	vst v63  }
0x28: {  	_ = 	snop  }
0x29: {  	[tilespmem:s15], [sflag:$0x1] =	stream.indirect.gather [hbm4b:s3+s13], $0x80, s23, s13, $0xb8;
	[tilespmem:$0x10BC0] =	vst v63  }
0x2a: {  	_ = 	snop  }
0x2b: {  	[hbm4b:s7+s2] =	stream.linear.scatter [tilespmem:s18], [sflag:$0x3], $0x7000, $0x38;
	[tilespmem:$0x10BC0] =	vst v63  }
0x2c: {  	_ =	swait.ge [sflag:s16], $0x7000  }
0x2d: {  	[sflag:s16] =	ssyncset.done $0x0  }
0x2e: {  	[sflag:s16] =	ssyncadd.s32 $0xFFFF9000  }
0x2f: {  	_ =	swait.ge [sflag:s24], $0x7000  }
0x30: {  	[sflag:s24] =	ssyncset.done $0x0  }
0x31: {  	s11 =	simm.s32 $0x2A0;
	[sflag:s24] =	ssyncadd.s32 $0xFFFF9000  }
0x32: {  	[tilespmem:s18], [sflag:$0x1] =	stream.indirect.gather [hbm4b:s3+s13], $0x80, s11, s13, $0xb8;
	[tilespmem:$0x10BC0] =	vst v63  }
0x33: {  	s17 =	simm.s32 $0x310  }
0x34: {  	[tilespmem:s20], [sflag:$0x1] =	stream.indirect.gather [hbm4b:s3+s13], $0x80, s17, s13, $0xb8;
	[tilespmem:$0x10BC0] =	vst v63  }
0x35: {  	_ = 	snop  }
0x36: {  	[hbm4b:s10+s2] =	stream.linear.scatter [tilespmem:s14], [sflag:$0x2], $0x7000, $0x38;
	[tilespmem:$0x10BC0] =	vst v63  }
0x37: {  	_ =	swait.ge [sflag:s16], $0x7000  }
0x38: {  	[sflag:s16] =	ssyncset.done $0x0  }
0x39: {  	[sflag:s16] =	ssyncadd.s32 $0xFFFF9000  }
0x3a: {  	_ =	swait.ge [sflag:s21], $0x7000  }
0x3b: {  	s29 =	simm.s32 $0x700;
	[sflag:s21] =	ssyncset.done $0x0  }
0x3c: {  	s30 =	sadd.s32 $0x1C00, s10;
	s0 =	simm.s32 $0x380;
	[sflag:s21] =	ssyncadd.s32 $0xFFFF9000  }
0x3d: {  	[tilespmem:s14], [sflag:$0x1] =	stream.indirect.gather [hbm4b:s3+s13], $0x80, s0, s13, $0xb8;
	[tilespmem:$0x10BC0] =	vst v63  }
0x3e: {  	s31 =	sadd.s32 $0x1C00, s1;
	s11 =	smov.u32 s1;
	s17 =	simm.s32 $0x3F0  }
0x3f: {  	[tilespmem:s15], [sflag:$0x1] =	stream.indirect.gather [hbm4b:s3+s13], $0x80, s17, s13, $0xb8;
	[tilespmem:$0x10BC0] =	vst v63  }
.LBB2_2:
0x40: {  	[hbm4b:s11+s2] =	stream.linear.scatter [tilespmem:s18], [sflag:$0x3], $0x7000, $0x38;
	[tilespmem:$0x10BC0] =	vst v63  }
0x41: {  	s0 =	smov.u32 s29;
	s11 =	smov.u32 s31  }
0x42: {  	p0 =	sne.s32 s29, $0x9A00;
	s29 =	sadd.s32 $0x700, s29;
	_ =	swait.ge [sflag:s16], $0x7000  }
0x43: {  	[sflag:s16] =	ssyncset.done $0x0  }
0x44: {  	[sflag:s16] =	ssyncadd.s32 $0xFFFF9000  }
0x45: {  	_ =	swait.ge [sflag:s24], $0x7000  }
0x46: {  	s0 =	sshra.s32 s0, $0x2;
	[sflag:s24] =	ssyncset.done $0x0  }
0x47: {  	s17 =	sadd.s32 $0x2A0, s0;
	[sflag:s24] =	ssyncadd.s32 $0xFFFF9000  }
0x48: {  	[tilespmem:s18], [sflag:$0x1] =	stream.indirect.gather [hbm4b:s3+s13], $0x80, s17, s13, $0xb8;
	[tilespmem:$0x10BC0] =	vst v63  }
0x49: {  	s17 =	sadd.s32 $0x310, s0  }
0x4a: {  	[tilespmem:s20], [sflag:$0x1] =	stream.indirect.gather [hbm4b:s3+s13], $0x80, s17, s13, $0xb8;
	[tilespmem:$0x10BC0] =	vst v63  }
0x4b: {  	_ = 	snop  }
0x4c: {  	[hbm4b:s30+s2] =	stream.linear.scatter [tilespmem:s14], [sflag:$0x2], $0x7000, $0x38;
	[tilespmem:$0x10BC0] =	vst v63  }
0x4d: {  	_ =	swait.ge [sflag:s16], $0x7000  }
0x4e: {  	[sflag:s16] =	ssyncset.done $0x0  }
0x4f: {  	[sflag:s16] =	ssyncadd.s32 $0xFFFF9000  }
0x50: {  	_ =	swait.ge [sflag:s21], $0x7000  }
0x51: {  	[sflag:s21] =	ssyncset.done $0x0  }
.Ltmp0:
0x52: {  	s17 =	sadd.s32 $0x380, s0;
	[sflag:s21] =	ssyncadd.s32 $0xFFFF9000;
	(pc) =	sbr.rel @p0 .LBB2_2-.Ltmp0, $4  }
0x53: {  	[tilespmem:s14], [sflag:$0x1] =	stream.indirect.gather [hbm4b:s3+s13], $0x80, s17, s13, $0xb8;
	[tilespmem:$0x10BC0] =	vst v63  }
0x54: {  	s0 =	sadd.s32 $0x3F0, s0  }
0x55: {  	[tilespmem:s15], [sflag:$0x1] =	stream.indirect.gather [hbm4b:s3+s13], $0x80, s0, s13, $0xb8;
	[tilespmem:$0x10BC0] =	vst v63  }
0x56: {  	s31 =	sadd.s32 $0x1C00, s31;
	s30 =	sadd.s32 $0x1C00, s30  }
0x57: {  	[hbm4b:s11+s2] =	stream.linear.scatter [tilespmem:s18], [sflag:$0x3], $0x7000, $0x38;
	[tilespmem:$0x10BC0] =	vst v63  }
0x58: {  	_ =	swait.ge [sflag:s16], $0x7000  }
0x59: {  	[sflag:s16] =	ssyncset.done $0x0  }
0x5a: {  	[sflag:s16] =	ssyncadd.s32 $0xFFFF9000  }
0x5b: {  	_ =	swait.ge [sflag:s24], $0x7000  }
0x5c: {  	[sflag:s24] =	ssyncset.done $0x0  }
0x5d: {  	[sflag:s24] =	ssyncadd.s32 $0xFFFF9000  }
0x5e: {  	[tilespmem:s18], [sflag:$0x1] =	stream.indirect.gather [hbm4b:s3+s13], $0x80, s25, s13, $0xb8;
	[tilespmem:$0x10BC0] =	vst v63  }
0x5f: {  	_ = 	snop  }
0x60: {  	[tilespmem:s20], [sflag:$0x1] =	stream.indirect.gather [hbm4b:s3+s13], $0x80, s26, s13, $0xb8;
	[tilespmem:$0x10BC0] =	vst v63  }
0x61: {  	_ = 	snop  }
0x62: {  	[hbm4b:s8+s2] =	stream.linear.scatter [tilespmem:s14], [sflag:$0x2], $0x7000, $0x38;
	[tilespmem:$0x10BC0] =	vst v63  }
0x63: {  	_ =	swait.ge [sflag:s16], $0x7000  }
0x64: {  	[sflag:s16] =	ssyncset.done $0x0  }
0x65: {  	[sflag:s16] =	ssyncadd.s32 $0xFFFF9000  }
0x66: {  	s28 =	sadd.s32 $0x1, s28;
	_ =	swait.ge [sflag:s21], $0x7000  }
0x67: {  	p0 =	sne.s32 s28, s5;
	[sflag:s21] =	ssyncset.done $0x0  }
.Ltmp1:
0x68: {  	[sflag:s21] =	ssyncadd.s32 $0xFFFF9000;
	(pc) =	sbr.rel @p0 .LBB2_1-.Ltmp1, $4  }
0x69: {  	[hbm4b:s9+s2] =	stream.linear.scatter [tilespmem:s18], [sflag:$0x3], $0x7000, $0x38;
	[tilespmem:$0x10BC0] =	vst v63  }
0x6a: {  	_ =	swait.ge [sflag:s24], $0x7000  }
0x6b: {  	[sflag:s24] =	ssyncset.done $0x0  }
0x6c: {  	[sflag:s24] =	ssyncadd.s32 $0xFFFF9000  }
0x6d: {  	_ =	sfence.sel $0x180000  }
0x6e: {  	[bflag:$0x0] =	sbarrier.arrive $0xFFFF  }
0x6f: {  	_ =	strace $0x90000047  }
0x70: {  	s0 =	stileid.u32;
	[bflag:$0x2] =	sbarrier.arrive $0xFFFF  }
0x71: {  	p0 =	sne.s32 s0, $0x0;
	s0 =	rddreg [dreg:$0x1]  }
0x72: {  	s0 =	sadd.s32 @!p0 $0x100000, s0  }
0x73: {  	[sflag:s0] =	ssyncadd.tile.s32 @!p0 $0x1;
	_ =	shalt  }
.Lfunc_end2:
_tile_overlayer_lowered:
.L_overlay_start_2:
0x74: {  	(tag) =	ssettag $0x2  }
0x75: {  	s0 =	rddreg [dreg:$0x0];
	s2 =	stileid.u32  }
0x76: {  	s1 =	rddreg [dreg:$0x1];
	p0 =	sne.s32 s2, $0x0  }
0x77: {  	s3 =	rddreg [dreg:$0x2];
	[bflag:$0x3] =	sbarrier.arrive $0xFFFF;
	s2 =	simm.s32 @!p0 $0x1C04  }
0x78: {  	[timem:s3], [sflag:s2] =	dma.local @!p0 [hbm:s0], s1  }
0x79: {  	s0 =	simm.s32 @!p0 $0x4  }
0x7a: {  	_ =	swait.ge @!p0 [sflag:s0], s1  }
0x7b: {  	s1 =	ssub.s32 @!p0 $0x0, s1;
	[sflag:s0] =	ssyncset.done @!p0 $0x0  }
0x7c: {  	[sflag:s0] =	ssyncadd.s32 @!p0 s1  }
0x7d: {  	[bflag:$0x3] =	sbarrier.arrive $0xFFFF  }
0x7e: {  	_ =	shalt  }

</sc_bundles>
